<compile_context>
chip_gen: v7x
topology: tpu7x:2x2x1
jax: 0.10.2.dev20260603
libtpu: 0.0.44.dev20260713+nightly
codegen_flags: <defaults>
</compile_context>

<pallas_src>
import functools

import jax
import jax.numpy as jnp
import numpy as np
from jax import lax
from jax.experimental import pallas as pl
from jax.experimental.pallas import tpu as pltpu
from jax.experimental.pallas import tpu_sc as plsc

B = 16384
F = 27
V = 100000
D = 16
NF = F - 1
EPS = 1e-5
K = B * NF

_NC, _NS = 2, 16
_NW = _NC * _NS
_PER_W = K // _NW
_N_CHUNK = 8
_CHUNK = _PER_W // _N_CHUNK


@functools.lru_cache(maxsize=None)
def _make_sc_gather():
    mesh = plsc.VectorSubcoreMesh(core_axis_name="c", subcore_axis_name="s")

    @functools.partial(
        pl.kernel,
        mesh=mesh,
        out_type=jax.ShapeDtypeStruct((K, D), jnp.float32),
        scratch_types=[
            pltpu.VMEM((_CHUNK,), jnp.int32),
            pltpu.VMEM((_CHUNK, D), jnp.float32),
            pltpu.SemaphoreType.DMA,
        ],
        compiler_params=pltpu.CompilerParams(use_tc_tiling_on_sc=False),
    )
    def gather_k(idx_hbm, table_hbm, out_hbm, idx_v, rows_v, sem):
        wid = lax.axis_index("s") * _NC + lax.axis_index("c")
        base = wid * _PER_W
        for c in range(_N_CHUNK):
            off = base + c * _CHUNK
            pltpu.sync_copy(idx_hbm.at[pl.ds(off, _CHUNK)], idx_v)
            pltpu.async_copy(table_hbm.at[idx_v], rows_v, sem).wait()
            pltpu.sync_copy(rows_v, out_hbm.at[pl.ds(off, _CHUNK)])

    return gather_k


_TSEG = 256
_TCOL = 8 * _TSEG
_TSUB = 8
_TROWS = _TCOL * _TSUB
_NTB = -(-(F * V) // _TROWS)
_VPAD = _NTB * _TROWS


def _tp_body(tt_ref, out_ref):
    x = tt_ref[...]
    for s in range(_TSUB):
        xs = x[:, s * _TCOL:(s + 1) * _TCOL]
        xden = jnp.concatenate(
            [xs[:, b * _TSEG:(b + 1) * _TSEG] for b in range(8)], axis=0)
        out_ref[pl.ds(s * _TSEG, _TSEG), :] = xden.T


def _pack_table(tt, interpret=False):
    return pl.pallas_call(
        _tp_body,
        grid=(_NTB,),
        in_specs=[pl.BlockSpec((D, _TROWS), lambda j: (0, j))],
        out_specs=pl.BlockSpec((_TSUB * _TSEG, 128), lambda j: (j, 0)),
        out_shape=jax.ShapeDtypeStruct((_VPAD // 8, 128), jnp.float32),
        interpret=interpret,
    )(tt)


def _perm(r):
    return 8 * (_TSEG * (r // _TCOL) + (r % _TSEG)) + (r % _TCOL) // _TSEG


_BB = 2048
_RS = float(1.0 / np.sqrt(1.0 + EPS))


def _tc_body(emb_ref, smat_ref, w1_ref, b1_ref, g1_ref, be1_ref,
             w2_ref, b2_ref, g2_ref, be2_ref, w3_ref, b3_ref, g3_ref,
             be3_ref, wout_ref, bout_ref, out_ref):
    e = emb_ref[...]
    s = jnp.dot(e, smat_ref[...], preferred_element_type=jnp.float32)
    sumsq = jnp.sum(e * e, axis=1, keepdims=True)
    fm = 0.5 * (jnp.sum(s * s, axis=1, keepdims=True) - sumsq)
    h = e
    for w_ref, b_ref, g_ref, be_ref in (
        (w1_ref, b1_ref, g1_ref, be1_ref),
        (w2_ref, b2_ref, g2_ref, be2_ref),
        (w3_ref, b3_ref, g3_ref, be3_ref),
    ):
        h = jnp.dot(h, w_ref[...], preferred_element_type=jnp.float32) + b_ref[...]
        h = jnp.maximum(g_ref[...] * h * _RS + be_ref[...], 0.0)
    mlp = jnp.dot(h, wout_ref[...], preferred_element_type=jnp.float32) + bout_ref[...]
    out_ref[...] = fm * 1.2737 + mlp * 1.341


def _full(shape):
    nd = len(shape)
    return pl.BlockSpec(shape, lambda i: (0,) * nd)


def _tc_head(emb, smat, w1, b1, g1, be1, w2, b2, g2, be2, w3, b3, g3, be3,
             wout, bout, interpret=False):
    grid = (B // _BB,)
    return pl.pallas_call(
        _tc_body,
        grid=grid,
        in_specs=[
            pl.BlockSpec((_BB, NF * D), lambda i: (i, 0)),
            _full(smat.shape), _full(w1.shape), _full(b1.shape),
            _full(g1.shape), _full(be1.shape), _full(w2.shape),
            _full(b2.shape), _full(g2.shape), _full(be2.shape),
            _full(w3.shape), _full(b3.shape), _full(g3.shape),
            _full(be3.shape), _full(wout.shape), _full(bout.shape),
        ],
        out_specs=pl.BlockSpec((_BB, 1), lambda i: (i, 0)),
        out_shape=jax.ShapeDtypeStruct((B, 1), jnp.float32),
        interpret=interpret,
    )(emb, smat, w1, b1, g1, be1, w2, b2, g2, be2, w3, b3, g3, be3,
      wout, bout)


def kernel(x, table, W1, b1, g1, be1, W2, b2, g2, be2, W3, b3, g3, be3,
           Wout, bout):
    offsets = jnp.arange(NF, dtype=x.dtype) * V
    idx = _perm((x[:, :NF] + offsets[None, :]).reshape(-1))
    table_lin = _pack_table(table.T).reshape(_VPAD, D)
    emb = _make_sc_gather()(idx, table_lin).reshape(B, NF * D)
    smat = jnp.tile(jnp.eye(D, dtype=jnp.float32), (NF, 1))
    r2 = lambda v: v.reshape(1, -1)
    return _tc_head(emb, smat, W1, r2(b1), r2(g1), r2(be1), W2, r2(b2),
                    r2(g2), r2(be2), W3, r2(b3), r2(g3), r2(be3), Wout,
                    r2(bout))

# --- scband reference (transcript-rebuilt; emitter-appended) ---
"""Pipeline reference for scband-deep-factorization-machine-model-63471026700692 (READ-ONLY COPY).

The authoritative reference and input builder live on the scoring server;
editing this copy changes nothing except your own understanding.
"""

import jax, jax.numpy as jnp
import numpy as np

B = 16384
F = 27
V = 100000
D = 16
EPS = 1e-5
MLP_DIMS = [(F - 1) * D, 16, 32, 16]


def setup_inputs(seed: int = 0) -> dict:
    key = jax.random.key(seed)
    ks = jax.random.split(key, 8)
    inp = {}
    inp["x"] = jax.random.randint(ks[0], (B, F), 0, V, dtype=jnp.int32)
    # one concatenated embedding table with per-field offsets (FeaturesEmbedding)
    inp["table"] = jax.random.normal(ks[1], (F * V, D), dtype=jnp.float32) * 0.01
    for i in range(3):
        fan_in = MLP_DIMS[i]
        inp[f"W{i+1}"] = jax.random.normal(ks[2 + i], (MLP_DIMS[i], MLP_DIMS[i + 1]), dtype=jnp.float32) * (1.0 / np.sqrt(fan_in))
        inp[f"b{i+1}"] = jnp.zeros((MLP_DIMS[i + 1],), dtype=jnp.float32)
        inp[f"g{i+1}"] = jnp.ones((MLP_DIMS[i + 1],), dtype=jnp.float32)
        inp[f"be{i+1}"] = jnp.zeros((MLP_DIMS[i + 1],), dtype=jnp.float32)
    inp["Wout"] = jax.random.normal(ks[5], (MLP_DIMS[-1], 1), dtype=jnp.float32) * 0.25
    inp["bout"] = jnp.zeros((1,), dtype=jnp.float32)
    return inp


def reference(x, table, W1, b1, g1, be1, W2, b2, g2, be2, W3, b3, g3, be3, Wout, bout):
    # FeaturesEmbedding: per-field offset gather; last column dropped (embed_output_dim = (F-1)*D)
    offsets = jnp.arange(F, dtype=x.dtype) * V
    idx = x[:, : F - 1] + offsets[: F - 1]
    emb = jnp.take(table, idx, axis=0)  # (B, F-1, D)
    # FactorizationMachine(reduce_sum=True)
    s = emb.sum(axis=1)
    sq = jnp.square(emb).sum(axis=1)
    fm = 0.5 * (jnp.square(s) - sq).sum(axis=1, keepdims=True)  # (B, 1)
    # MultiLayerPerceptron: [Linear -> BatchNorm(eval) -> ReLU -> Dropout(eval=id)] x3 -> Linear(->1)
    h = emb.reshape(emb.shape[0], -1)
    for W, b, g, be in ((W1, b1, g1, be1), (W2, b2, g2, be2), (W3, b3, g3, be3)):
        h = h @ W + b
        h = g * h / jnp.sqrt(1.0 + EPS) + be  # BN eval: running_mean=0, running_var=1
        h = jax.nn.relu(h)
    mlp = h @ Wout + bout  # (B, 1)
    return fm * 1.2737 + mlp * 1.341

if __name__ == "__main__":
    import jax
    _d = setup_inputs()
    print(jax.jit(kernel)(*tuple(_d.values())))

</pallas_src>

<mosaic_0001>
#map = affine_map<(d0, d1) -> (0)>
#map1 = affine_map<(d0, d1) -> (0, 0)>
module attributes {stable_mosaic.version = 14 : i64} {
  func.func @gather_k(%arg0: i32, %arg1: i32, %arg2: memref<425984xi32, #tpu.memory_space<hbm>>, %arg3: memref<2703360x16xf32, #tpu.memory_space<hbm>>, %arg4: memref<425984x16xf32, #tpu.memory_space<hbm>>, %arg5: memref<1664xi32, #tpu.memory_space<vmem>>, %arg6: memref<1664x16xf32, #tpu.memory_space<vmem>>, %arg7: memref<!tpu.dma_semaphore, #tpu.memory_space<semaphore_mem>>) attributes {dimension_semantics = [#tpu.dimension_semantics<core_parallel>, #tpu.dimension_semantics<subcore_parallel>], iteration_bounds = array<i64: 2, 16>, scalar_prefetch = 0 : i64, scratch_operands = 3 : i64, tpu.core_type = #tpu.core_type<sc_vector_subcore>, window_params = [{transform_indices = #map}, {transform_indices = #map1}, {transform_indices = #map1}]} {
    %mul3A = arith.constant 2 : i32
    %mul3A_0 = arith.muli %arg1, %mul3A : i32
    %add3A = arith.addi %mul3A_0, %arg0 : i32
    %mul3A_1 = arith.constant 13312 : i32
    %mul3A_2 = arith.muli %add3A, %mul3A_1 : i32
    %add3A_3 = arith.constant 0 : i32
    %add3A_4 = arith.addi %mul3A_2, %add3A_3 : i32
    "tpu.region"() ({
      %run_scoped3A = tpu.sem_alloc : memref<!tpu.dma_semaphore, #tpu.memory_space<semaphore_mem>>
      %dma_start3A_65 = tpu.memref_slice %arg2[%add3A_4] : memref<425984xi32, #tpu.memory_space<hbm>> -> memref<1664xi32, #tpu.memory_space<hbm>>
      %dma_start3A_66 = tpu.memref_slice %arg2[%add3A_4] : memref<425984xi32, #tpu.memory_space<hbm>> -> memref<1664xi32, #tpu.memory_space<hbm>>
      tpu.enqueue_dma source(%dma_start3A_66 : memref<1664xi32, #tpu.memory_space<hbm>>) target(%arg5 : memref<1664xi32, #tpu.memory_space<vmem>>) target_semaphore(%run_scoped3A : memref<!tpu.dma_semaphore, #tpu.memory_space<semaphore_mem>>)
      %dma_wait3A_67 = tpu.memref_slice %arg2[%add3A_4] : memref<425984xi32, #tpu.memory_space<hbm>> -> memref<1664xi32, #tpu.memory_space<hbm>>
      %dma_wait3A_68 = tpu.memref_slice %arg2[%add3A_4] : memref<425984xi32, #tpu.memory_space<hbm>> -> memref<1664xi32, #tpu.memory_space<hbm>>
      tpu.wait_dma2 semaphore(%run_scoped3A : memref<!tpu.dma_semaphore, #tpu.memory_space<semaphore_mem>>) src(%dma_wait3A_68 : memref<1664xi32, #tpu.memory_space<hbm>>) dst(%arg5 : memref<1664xi32, #tpu.memory_space<vmem>>)
      tpu.yield
    }) : () -> ()
    %dma_start3A = arith.constant 0 : i32
    %dma_start3A_5 = arith.constant 0 : i32
    %dma_start3A_6 = tpu.memref_slice %arg3[%dma_start3A, %dma_start3A_5] : memref<2703360x16xf32, #tpu.memory_space<hbm>> -> memref<2703360x16xf32, #tpu.memory_space<hbm>>
    tpu.enqueue_indirect_dma source(%dma_start3A_6 : memref<2703360x16xf32, #tpu.memory_space<hbm>>) target(%arg6 : memref<1664x16xf32, #tpu.memory_space<vmem>>) offsets(%arg5 : memref<1664xi32, #tpu.memory_space<vmem>>) semaphore(%arg7 : memref<!tpu.dma_semaphore, #tpu.memory_space<semaphore_mem>>)
    %dma_wait3A = arith.constant 0 : i32
    %dma_wait3A_7 = arith.constant 0 : i32
    %dma_wait3A_8 = tpu.memref_slice %arg3[%dma_wait3A, %dma_wait3A_7] : memref<2703360x16xf32, #tpu.memory_space<hbm>> -> memref<2703360x16xf32, #tpu.memory_space<hbm>>
    tpu.wait_indirect_dma semaphore(%arg7 : memref<!tpu.dma_semaphore, #tpu.memory_space<semaphore_mem>>) src(%dma_wait3A_8 : memref<2703360x16xf32, #tpu.memory_space<hbm>>) dst(%arg6 : memref<1664x16xf32, #tpu.memory_space<vmem>>)
    "tpu.region"() ({
      %run_scoped3A = tpu.sem_alloc : memref<!tpu.dma_semaphore, #tpu.memory_space<semaphore_mem>>
      %dma_start3A_65 = arith.constant 0 : i32
      %dma_start3A_66 = tpu.memref_slice %arg4[%add3A_4, %dma_start3A_65] : memref<425984x16xf32, #tpu.memory_space<hbm>> -> memref<1664x16xf32, #tpu.memory_space<hbm>>
      %dma_start3A_67 = arith.constant 0 : i32
      %dma_start3A_68 = tpu.memref_slice %arg4[%add3A_4, %dma_start3A_67] : memref<425984x16xf32, #tpu.memory_space<hbm>> -> memref<1664x16xf32, #tpu.memory_space<hbm>>
      tpu.enqueue_dma source(%arg6 : memref<1664x16xf32, #tpu.memory_space<vmem>>) target(%dma_start3A_68 : memref<1664x16xf32, #tpu.memory_space<hbm>>) target_semaphore(%run_scoped3A : memref<!tpu.dma_semaphore, #tpu.memory_space<semaphore_mem>>)
      %dma_wait3A_69 = arith.constant 0 : i32
      %dma_wait3A_70 = tpu.memref_slice %arg4[%add3A_4, %dma_wait3A_69] : memref<425984x16xf32, #tpu.memory_space<hbm>> -> memref<1664x16xf32, #tpu.memory_space<hbm>>
      %dma_wait3A_71 = arith.constant 0 : i32
      %dma_wait3A_72 = tpu.memref_slice %arg4[%add3A_4, %dma_wait3A_71] : memref<425984x16xf32, #tpu.memory_space<hbm>> -> memref<1664x16xf32, #tpu.memory_space<hbm>>
      tpu.wait_dma2 semaphore(%run_scoped3A : memref<!tpu.dma_semaphore, #tpu.memory_space<semaphore_mem>>) src(%arg6 : memref<1664x16xf32, #tpu.memory_space<vmem>>) dst(%dma_wait3A_72 : memref<1664x16xf32, #tpu.memory_space<hbm>>)
      tpu.yield
    }) : () -> ()
    %add3A_9 = arith.constant 1664 : i32
    %add3A_10 = arith.addi %mul3A_2, %add3A_9 : i32
    "tpu.region"() ({
      %run_scoped3A = tpu.sem_alloc : memref<!tpu.dma_semaphore, #tpu.memory_space<semaphore_mem>>
      %dma_start3A_65 = tpu.memref_slice %arg2[%add3A_10] : memref<425984xi32, #tpu.memory_space<hbm>> -> memref<1664xi32, #tpu.memory_space<hbm>>
      %dma_start3A_66 = tpu.memref_slice %arg2[%add3A_10] : memref<425984xi32, #tpu.memory_space<hbm>> -> memref<1664xi32, #tpu.memory_space<hbm>>
      tpu.enqueue_dma source(%dma_start3A_66 : memref<1664xi32, #tpu.memory_space<hbm>>) target(%arg5 : memref<1664xi32, #tpu.memory_space<vmem>>) target_semaphore(%run_scoped3A : memref<!tpu.dma_semaphore, #tpu.memory_space<semaphore_mem>>)
      %dma_wait3A_67 = tpu.memref_slice %arg2[%add3A_10] : memref<425984xi32, #tpu.memory_space<hbm>> -> memref<1664xi32, #tpu.memory_space<hbm>>
      %dma_wait3A_68 = tpu.memref_slice %arg2[%add3A_10] : memref<425984xi32, #tpu.memory_space<hbm>> -> memref<1664xi32, #tpu.memory_space<hbm>>
      tpu.wait_dma2 semaphore(%run_scoped3A : memref<!tpu.dma_semaphore, #tpu.memory_space<semaphore_mem>>) src(%dma_wait3A_68 : memref<1664xi32, #tpu.memory_space<hbm>>) dst(%arg5 : memref<1664xi32, #tpu.memory_space<vmem>>)
      tpu.yield
    }) : () -> ()
    %dma_start3A_11 = arith.constant 0 : i32
    %dma_start3A_12 = arith.constant 0 : i32
    %dma_start3A_13 = tpu.memref_slice %arg3[%dma_start3A_11, %dma_start3A_12] : memref<2703360x16xf32, #tpu.memory_space<hbm>> -> memref<2703360x16xf32, #tpu.memory_space<hbm>>
    tpu.enqueue_indirect_dma source(%dma_start3A_13 : memref<2703360x16xf32, #tpu.memory_space<hbm>>) target(%arg6 : memref<1664x16xf32, #tpu.memory_space<vmem>>) offsets(%arg5 : memref<1664xi32, #tpu.memory_space<vmem>>) semaphore(%arg7 : memref<!tpu.dma_semaphore, #tpu.memory_space<semaphore_mem>>)
    %dma_wait3A_14 = arith.constant 0 : i32
    %dma_wait3A_15 = arith.constant 0 : i32
    %dma_wait3A_16 = tpu.memref_slice %arg3[%dma_wait3A_14, %dma_wait3A_15] : memref<2703360x16xf32, #tpu.memory_space<hbm>> -> memref<2703360x16xf32, #tpu.memory_space<hbm>>
    tpu.wait_indirect_dma semaphore(%arg7 : memref<!tpu.dma_semaphore, #tpu.memory_space<semaphore_mem>>) src(%dma_wait3A_16 : memref<2703360x16xf32, #tpu.memory_space<hbm>>) dst(%arg6 : memref<1664x16xf32, #tpu.memory_space<vmem>>)
    "tpu.region"() ({
      %run_scoped3A = tpu.sem_alloc : memref<!tpu.dma_semaphore, #tpu.memory_space<semaphore_mem>>
      %dma_start3A_65 = arith.constant 0 : i32
      %dma_start3A_66 = tpu.memref_slice %arg4[%add3A_10, %dma_start3A_65] : memref<425984x16xf32, #tpu.memory_space<hbm>> -> memref<1664x16xf32, #tpu.memory_space<hbm>>
      %dma_start3A_67 = arith.constant 0 : i32
      %dma_start3A_68 = tpu.memref_slice %arg4[%add3A_10, %dma_start3A_67] : memref<425984x16xf32, #tpu.memory_space<hbm>> -> memref<1664x16xf32, #tpu.memory_space<hbm>>
      tpu.enqueue_dma source(%arg6 : memref<1664x16xf32, #tpu.memory_space<vmem>>) target(%dma_start3A_68 : memref<1664x16xf32, #tpu.memory_space<hbm>>) target_semaphore(%run_scoped3A : memref<!tpu.dma_semaphore, #tpu.memory_space<semaphore_mem>>)
      %dma_wait3A_69 = arith.constant 0 : i32
      %dma_wait3A_70 = tpu.memref_slice %arg4[%add3A_10, %dma_wait3A_69] : memref<425984x16xf32, #tpu.memory_space<hbm>> -> memref<1664x16xf32, #tpu.memory_space<hbm>>
      %dma_wait3A_71 = arith.constant 0 : i32
      %dma_wait3A_72 = tpu.memref_slice %arg4[%add3A_10, %dma_wait3A_71] : memref<425984x16xf32, #tpu.memory_space<hbm>> -> memref<1664x16xf32, #tpu.memory_space<hbm>>
      tpu.wait_dma2 semaphore(%run_scoped3A : memref<!tpu.dma_semaphore, #tpu.memory_space<semaphore_mem>>) src(%arg6 : memref<1664x16xf32, #tpu.memory_space<vmem>>) dst(%dma_wait3A_72 : memref<1664x16xf32, #tpu.memory_space<hbm>>)
      tpu.yield
    }) : () -> ()
    %add3A_17 = arith.constant 3328 : i32
    %add3A_18 = arith.addi %mul3A_2, %add3A_17 : i32
    "tpu.region"() ({
      %run_scoped3A = tpu.sem_alloc : memref<!tpu.dma_semaphore, #tpu.memory_space<semaphore_mem>>
      %dma_start3A_65 = tpu.memref_slice %arg2[%add3A_18] : memref<425984xi32, #tpu.memory_space<hbm>> -> memref<1664xi32, #tpu.memory_space<hbm>>
      %dma_start3A_66 = tpu.memref_slice %arg2[%add3A_18] : memref<425984xi32, #tpu.memory_space<hbm>> -> memref<1664xi32, #tpu.memory_space<hbm>>
      tpu.enqueue_dma source(%dma_start3A_66 : memref<1664xi32, #tpu.memory_space<hbm>>) target(%arg5 : memref<1664xi32, #tpu.memory_space<vmem>>) target_semaphore(%run_scoped3A : memref<!tpu.dma_semaphore, #tpu.memory_space<semaphore_mem>>)
      %dma_wait3A_67 = tpu.memref_slice %arg2[%add3A_18] : memref<425984xi32, #tpu.memory_space<hbm>> -> memref<1664xi32, #tpu.memory_space<hbm>>
      %dma_wait3A_68 = tpu.memref_slice %arg2[%add3A_18] : memref<425984xi32, #tpu.memory_space<hbm>> -> memref<1664xi32, #tpu.memory_space<hbm>>
      tpu.wait_dma2 semaphore(%run_scoped3A : memref<!tpu.dma_semaphore, #tpu.memory_space<semaphore_mem>>) src(%dma_wait3A_68 : memref<1664xi32, #tpu.memory_space<hbm>>) dst(%arg5 : memref<1664xi32, #tpu.memory_space<vmem>>)
      tpu.yield
    }) : () -> ()
    %dma_start3A_19 = arith.constant 0 : i32
    %dma_start3A_20 = arith.constant 0 : i32
    %dma_start3A_21 = tpu.memref_slice %arg3[%dma_start3A_19, %dma_start3A_20] : memref<2703360x16xf32, #tpu.memory_space<hbm>> -> memref<2703360x16xf32, #tpu.memory_space<hbm>>
    tpu.enqueue_indirect_dma source(%dma_start3A_21 : memref<2703360x16xf32, #tpu.memory_space<hbm>>) target(%arg6 : memref<1664x16xf32, #tpu.memory_space<vmem>>) offsets(%arg5 : memref<1664xi32, #tpu.memory_space<vmem>>) semaphore(%arg7 : memref<!tpu.dma_semaphore, #tpu.memory_space<semaphore_mem>>)
    %dma_wait3A_22 = arith.constant 0 : i32
    %dma_wait3A_23 = arith.constant 0 : i32
    %dma_wait3A_24 = tpu.memref_slice %arg3[%dma_wait3A_22, %dma_wait3A_23] : memref<2703360x16xf32, #tpu.memory_space<hbm>> -> memref<2703360x16xf32, #tpu.memory_space<hbm>>
    tpu.wait_indirect_dma semaphore(%arg7 : memref<!tpu.dma_semaphore, #tpu.memory_space<semaphore_mem>>) src(%dma_wait3A_24 : memref<2703360x16xf32, #tpu.memory_space<hbm>>) dst(%arg6 : memref<1664x16xf32, #tpu.memory_space<vmem>>)
    "tpu.region"() ({
      %run_scoped3A = tpu.sem_alloc : memref<!tpu.dma_semaphore, #tpu.memory_space<semaphore_mem>>
      %dma_start3A_65 = arith.constant 0 : i32
      %dma_start3A_66 = tpu.memref_slice %arg4[%add3A_18, %dma_start3A_65] : memref<425984x16xf32, #tpu.memory_space<hbm>> -> memref<1664x16xf32, #tpu.memory_space<hbm>>
      %dma_start3A_67 = arith.constant 0 : i32
      %dma_start3A_68 = tpu.memref_slice %arg4[%add3A_18, %dma_start3A_67] : memref<425984x16xf32, #tpu.memory_space<hbm>> -> memref<1664x16xf32, #tpu.memory_space<hbm>>
      tpu.enqueue_dma source(%arg6 : memref<1664x16xf32, #tpu.memory_space<vmem>>) target(%dma_start3A_68 : memref<1664x16xf32, #tpu.memory_space<hbm>>) target_semaphore(%run_scoped3A : memref<!tpu.dma_semaphore, #tpu.memory_space<semaphore_mem>>)
      %dma_wait3A_69 = arith.constant 0 : i32
      %dma_wait3A_70 = tpu.memref_slice %arg4[%add3A_18, %dma_wait3A_69] : memref<425984x16xf32, #tpu.memory_space<hbm>> -> memref<1664x16xf32, #tpu.memory_space<hbm>>
      %dma_wait3A_71 = arith.constant 0 : i32
      %dma_wait3A_72 = tpu.memref_slice %arg4[%add3A_18, %dma_wait3A_71] : memref<425984x16xf32, #tpu.memory_space<hbm>> -> memref<1664x16xf32, #tpu.memory_space<hbm>>
      tpu.wait_dma2 semaphore(%run_scoped3A : memref<!tpu.dma_semaphore, #tpu.memory_space<semaphore_mem>>) src(%arg6 : memref<1664x16xf32, #tpu.memory_space<vmem>>) dst(%dma_wait3A_72 : memref<1664x16xf32, #tpu.memory_space<hbm>>)
      tpu.yield
    }) : () -> ()
    %add3A_25 = arith.constant 4992 : i32
    %add3A_26 = arith.addi %mul3A_2, %add3A_25 : i32
    "tpu.region"() ({
      %run_scoped3A = tpu.sem_alloc : memref<!tpu.dma_semaphore, #tpu.memory_space<semaphore_mem>>
      %dma_start3A_65 = tpu.memref_slice %arg2[%add3A_26] : memref<425984xi32, #tpu.memory_space<hbm>> -> memref<1664xi32, #tpu.memory_space<hbm>>
      %dma_start3A_66 = tpu.memref_slice %arg2[%add3A_26] : memref<425984xi32, #tpu.memory_space<hbm>> -> memref<1664xi32, #tpu.memory_space<hbm>>
      tpu.enqueue_dma source(%dma_start3A_66 : memref<1664xi32, #tpu.memory_space<hbm>>) target(%arg5 : memref<1664xi32, #tpu.memory_space<vmem>>) target_semaphore(%run_scoped3A : memref<!tpu.dma_semaphore, #tpu.memory_space<semaphore_mem>>)
      %dma_wait3A_67 = tpu.memref_slice %arg2[%add3A_26] : memref<425984xi32, #tpu.memory_space<hbm>> -> memref<1664xi32, #tpu.memory_space<hbm>>
      %dma_wait3A_68 = tpu.memref_slice %arg2[%add3A_26] : memref<425984xi32, #tpu.memory_space<hbm>> -> memref<1664xi32, #tpu.memory_space<hbm>>
      tpu.wait_dma2 semaphore(%run_scoped3A : memref<!tpu.dma_semaphore, #tpu.memory_space<semaphore_mem>>) src(%dma_wait3A_68 : memref<1664xi32, #tpu.memory_space<hbm>>) dst(%arg5 : memref<1664xi32, #tpu.memory_space<vmem>>)
      tpu.yield
    }) : () -> ()
    %dma_start3A_27 = arith.constant 0 : i32
    %dma_start3A_28 = arith.constant 0 : i32
    %dma_start3A_29 = tpu.memref_slice %arg3[%dma_start3A_27, %dma_start3A_28] : memref<2703360x16xf32, #tpu.memory_space<hbm>> -> memref<2703360x16xf32, #tpu.memory_space<hbm>>
    tpu.enqueue_indirect_dma source(%dma_start3A_29 : memref<2703360x16xf32, #tpu.memory_space<hbm>>) target(%arg6 : memref<1664x16xf32, #tpu.memory_space<vmem>>) offsets(%arg5 : memref<1664xi32, #tpu.memory_space<vmem>>) semaphore(%arg7 : memref<!tpu.dma_semaphore, #tpu.memory_space<semaphore_mem>>)
    %dma_wait3A_30 = arith.constant 0 : i32
    %dma_wait3A_31 = arith.constant 0 : i32
    %dma_wait3A_32 = tpu.memref_slice %arg3[%dma_wait3A_30, %dma_wait3A_31] : memref<2703360x16xf32, #tpu.memory_space<hbm>> -> memref<2703360x16xf32, #tpu.memory_space<hbm>>
    tpu.wait_indirect_dma semaphore(%arg7 : memref<!tpu.dma_semaphore, #tpu.memory_space<semaphore_mem>>) src(%dma_wait3A_32 : memref<2703360x16xf32, #tpu.memory_space<hbm>>) dst(%arg6 : memref<1664x16xf32, #tpu.memory_space<vmem>>)
    "tpu.region"() ({
      %run_scoped3A = tpu.sem_alloc : memref<!tpu.dma_semaphore, #tpu.memory_space<semaphore_mem>>
      %dma_start3A_65 = arith.constant 0 : i32
      %dma_start3A_66 = tpu.memref_slice %arg4[%add3A_26, %dma_start3A_65] : memref<425984x16xf32, #tpu.memory_space<hbm>> -> memref<1664x16xf32, #tpu.memory_space<hbm>>
      %dma_start3A_67 = arith.constant 0 : i32
      %dma_start3A_68 = tpu.memref_slice %arg4[%add3A_26, %dma_start3A_67] : memref<425984x16xf32, #tpu.memory_space<hbm>> -> memref<1664x16xf32, #tpu.memory_space<hbm>>
      tpu.enqueue_dma source(%arg6 : memref<1664x16xf32, #tpu.memory_space<vmem>>) target(%dma_start3A_68 : memref<1664x16xf32, #tpu.memory_space<hbm>>) target_semaphore(%run_scoped3A : memref<!tpu.dma_semaphore, #tpu.memory_space<semaphore_mem>>)
      %dma_wait3A_69 = arith.constant 0 : i32
      %dma_wait3A_70 = tpu.memref_slice %arg4[%add3A_26, %dma_wait3A_69] : memref<425984x16xf32, #tpu.memory_space<hbm>> -> memref<1664x16xf32, #tpu.memory_space<hbm>>
      %dma_wait3A_71 = arith.constant 0 : i32
      %dma_wait3A_72 = tpu.memref_slice %arg4[%add3A_26, %dma_wait3A_71] : memref<425984x16xf32, #tpu.memory_space<hbm>> -> memref<1664x16xf32, #tpu.memory_space<hbm>>
      tpu.wait_dma2 semaphore(%run_scoped3A : memref<!tpu.dma_semaphore, #tpu.memory_space<semaphore_mem>>) src(%arg6 : memref<1664x16xf32, #tpu.memory_space<vmem>>) dst(%dma_wait3A_72 : memref<1664x16xf32, #tpu.memory_space<hbm>>)
      tpu.yield
    }) : () -> ()
    %add3A_33 = arith.constant 6656 : i32
    %add3A_34 = arith.addi %mul3A_2, %add3A_33 : i32
    "tpu.region"() ({
      %run_scoped3A = tpu.sem_alloc : memref<!tpu.dma_semaphore, #tpu.memory_space<semaphore_mem>>
      %dma_start3A_65 = tpu.memref_slice %arg2[%add3A_34] : memref<425984xi32, #tpu.memory_space<hbm>> -> memref<1664xi32, #tpu.memory_space<hbm>>
      %dma_start3A_66 = tpu.memref_slice %arg2[%add3A_34] : memref<425984xi32, #tpu.memory_space<hbm>> -> memref<1664xi32, #tpu.memory_space<hbm>>
      tpu.enqueue_dma source(%dma_start3A_66 : memref<1664xi32, #tpu.memory_space<hbm>>) target(%arg5 : memref<1664xi32, #tpu.memory_space<vmem>>) target_semaphore(%run_scoped3A : memref<!tpu.dma_semaphore, #tpu.memory_space<semaphore_mem>>)
      %dma_wait3A_67 = tpu.memref_slice %arg2[%add3A_34] : memref<425984xi32, #tpu.memory_space<hbm>> -> memref<1664xi32, #tpu.memory_space<hbm>>
      %dma_wait3A_68 = tpu.memref_slice %arg2[%add3A_34] : memref<425984xi32, #tpu.memory_space<hbm>> -> memref<1664xi32, #tpu.memory_space<hbm>>
      tpu.wait_dma2 semaphore(%run_scoped3A : memref<!tpu.dma_semaphore, #tpu.memory_space<semaphore_mem>>) src(%dma_wait3A_68 : memref<1664xi32, #tpu.memory_space<hbm>>) dst(%arg5 : memref<1664xi32, #tpu.memory_space<vmem>>)
      tpu.yield
    }) : () -> ()
    %dma_start3A_35 = arith.constant 0 : i32
    %dma_start3A_36 = arith.constant 0 : i32
    %dma_start3A_37 = tpu.memref_slice %arg3[%dma_start3A_35, %dma_start3A_36] : memref<2703360x16xf32, #tpu.memory_space<hbm>> -> memref<2703360x16xf32, #tpu.memory_space<hbm>>
    tpu.enqueue_indirect_dma source(%dma_start3A_37 : memref<2703360x16xf32, #tpu.memory_space<hbm>>) target(%arg6 : memref<1664x16xf32, #tpu.memory_space<vmem>>) offsets(%arg5 : memref<1664xi32, #tpu.memory_space<vmem>>) semaphore(%arg7 : memref<!tpu.dma_semaphore, #tpu.memory_space<semaphore_mem>>)
    %dma_wait3A_38 = arith.constant 0 : i32
    %dma_wait3A_39 = arith.constant 0 : i32
    %dma_wait3A_40 = tpu.memref_slice %arg3[%dma_wait3A_38, %dma_wait3A_39] : memref<2703360x16xf32, #tpu.memory_space<hbm>> -> memref<2703360x16xf32, #tpu.memory_space<hbm>>
    tpu.wait_indirect_dma semaphore(%arg7 : memref<!tpu.dma_semaphore, #tpu.memory_space<semaphore_mem>>) src(%dma_wait3A_40 : memref<2703360x16xf32, #tpu.memory_space<hbm>>) dst(%arg6 : memref<1664x16xf32, #tpu.memory_space<vmem>>)
    "tpu.region"() ({
      %run_scoped3A = tpu.sem_alloc : memref<!tpu.dma_semaphore, #tpu.memory_space<semaphore_mem>>
      %dma_start3A_65 = arith.constant 0 : i32
      %dma_start3A_66 = tpu.memref_slice %arg4[%add3A_34, %dma_start3A_65] : memref<425984x16xf32, #tpu.memory_space<hbm>> -> memref<1664x16xf32, #tpu.memory_space<hbm>>
      %dma_start3A_67 = arith.constant 0 : i32
      %dma_start3A_68 = tpu.memref_slice %arg4[%add3A_34, %dma_start3A_67] : memref<425984x16xf32, #tpu.memory_space<hbm>> -> memref<1664x16xf32, #tpu.memory_space<hbm>>
      tpu.enqueue_dma source(%arg6 : memref<1664x16xf32, #tpu.memory_space<vmem>>) target(%dma_start3A_68 : memref<1664x16xf32, #tpu.memory_space<hbm>>) target_semaphore(%run_scoped3A : memref<!tpu.dma_semaphore, #tpu.memory_space<semaphore_mem>>)
      %dma_wait3A_69 = arith.constant 0 : i32
      %dma_wait3A_70 = tpu.memref_slice %arg4[%add3A_34, %dma_wait3A_69] : memref<425984x16xf32, #tpu.memory_space<hbm>> -> memref<1664x16xf32, #tpu.memory_space<hbm>>
      %dma_wait3A_71 = arith.constant 0 : i32
      %dma_wait3A_72 = tpu.memref_slice %arg4[%add3A_34, %dma_wait3A_71] : memref<425984x16xf32, #tpu.memory_space<hbm>> -> memref<1664x16xf32, #tpu.memory_space<hbm>>
      tpu.wait_dma2 semaphore(%run_scoped3A : memref<!tpu.dma_semaphore, #tpu.memory_space<semaphore_mem>>) src(%arg6 : memref<1664x16xf32, #tpu.memory_space<vmem>>) dst(%dma_wait3A_72 : memref<1664x16xf32, #tpu.memory_space<hbm>>)
      tpu.yield
    }) : () -> ()
    %add3A_41 = arith.constant 8320 : i32
    %add3A_42 = arith.addi %mul3A_2, %add3A_41 : i32
    "tpu.region"() ({
      %run_scoped3A = tpu.sem_alloc : memref<!tpu.dma_semaphore, #tpu.memory_space<semaphore_mem>>
      %dma_start3A_65 = tpu.memref_slice %arg2[%add3A_42] : memref<425984xi32, #tpu.memory_space<hbm>> -> memref<1664xi32, #tpu.memory_space<hbm>>
      %dma_start3A_66 = tpu.memref_slice %arg2[%add3A_42] : memref<425984xi32, #tpu.memory_space<hbm>> -> memref<1664xi32, #tpu.memory_space<hbm>>
      tpu.enqueue_dma source(%dma_start3A_66 : memref<1664xi32, #tpu.memory_space<hbm>>) target(%arg5 : memref<1664xi32, #tpu.memory_space<vmem>>) target_semaphore(%run_scoped3A : memref<!tpu.dma_semaphore, #tpu.memory_space<semaphore_mem>>)
      %dma_wait3A_67 = tpu.memref_slice %arg2[%add3A_42] : memref<425984xi32, #tpu.memory_space<hbm>> -> memref<1664xi32, #tpu.memory_space<hbm>>
      %dma_wait3A_68 = tpu.memref_slice %arg2[%add3A_42] : memref<425984xi32, #tpu.memory_space<hbm>> -> memref<1664xi32, #tpu.memory_space<hbm>>
      tpu.wait_dma2 semaphore(%run_scoped3A : memref<!tpu.dma_semaphore, #tpu.memory_space<semaphore_mem>>) src(%dma_wait3A_68 : memref<1664xi32, #tpu.memory_space<hbm>>) dst(%arg5 : memref<1664xi32, #tpu.memory_space<vmem>>)
      tpu.yield
    }) : () -> ()
    %dma_start3A_43 = arith.constant 0 : i32
    %dma_start3A_44 = arith.constant 0 : i32
    %dma_start3A_45 = tpu.memref_slice %arg3[%dma_start3A_43, %dma_start3A_44] : memref<2703360x16xf32, #tpu.memory_space<hbm>> -> memref<2703360x16xf32, #tpu.memory_space<hbm>>
    tpu.enqueue_indirect_dma source(%dma_start3A_45 : memref<2703360x16xf32, #tpu.memory_space<hbm>>) target(%arg6 : memref<1664x16xf32, #tpu.memory_space<vmem>>) offsets(%arg5 : memref<1664xi32, #tpu.memory_space<vmem>>) semaphore(%arg7 : memref<!tpu.dma_semaphore, #tpu.memory_space<semaphore_mem>>)
    %dma_wait3A_46 = arith.constant 0 : i32
    %dma_wait3A_47 = arith.constant 0 : i32
    %dma_wait3A_48 = tpu.memref_slice %arg3[%dma_wait3A_46, %dma_wait3A_47] : memref<2703360x16xf32, #tpu.memory_space<hbm>> -> memref<2703360x16xf32, #tpu.memory_space<hbm>>
    tpu.wait_indirect_dma semaphore(%arg7 : memref<!tpu.dma_semaphore, #tpu.memory_space<semaphore_mem>>) src(%dma_wait3A_48 : memref<2703360x16xf32, #tpu.memory_space<hbm>>) dst(%arg6 : memref<1664x16xf32, #tpu.memory_space<vmem>>)
    "tpu.region"() ({
      %run_scoped3A = tpu.sem_alloc : memref<!tpu.dma_semaphore, #tpu.memory_space<semaphore_mem>>
      %dma_start3A_65 = arith.constant 0 : i32
      %dma_start3A_66 = tpu.memref_slice %arg4[%add3A_42, %dma_start3A_65] : memref<425984x16xf32, #tpu.memory_space<hbm>> -> memref<1664x16xf32, #tpu.memory_space<hbm>>
      %dma_start3A_67 = arith.constant 0 : i32
      %dma_start3A_68 = tpu.memref_slice %arg4[%add3A_42, %dma_start3A_67] : memref<425984x16xf32, #tpu.memory_space<hbm>> -> memref<1664x16xf32, #tpu.memory_space<hbm>>
      tpu.enqueue_dma source(%arg6 : memref<1664x16xf32, #tpu.memory_space<vmem>>) target(%dma_start3A_68 : memref<1664x16xf32, #tpu.memory_space<hbm>>) target_semaphore(%run_scoped3A : memref<!tpu.dma_semaphore, #tpu.memory_space<semaphore_mem>>)
      %dma_wait3A_69 = arith.constant 0 : i32
      %dma_wait3A_70 = tpu.memref_slice %arg4[%add3A_42, %dma_wait3A_69] : memref<425984x16xf32, #tpu.memory_space<hbm>> -> memref<1664x16xf32, #tpu.memory_space<hbm>>
      %dma_wait3A_71 = arith.constant 0 : i32
      %dma_wait3A_72 = tpu.memref_slice %arg4[%add3A_42, %dma_wait3A_71] : memref<425984x16xf32, #tpu.memory_space<hbm>> -> memref<1664x16xf32, #tpu.memory_space<hbm>>
      tpu.wait_dma2 semaphore(%run_scoped3A : memref<!tpu.dma_semaphore, #tpu.memory_space<semaphore_mem>>) src(%arg6 : memref<1664x16xf32, #tpu.memory_space<vmem>>) dst(%dma_wait3A_72 : memref<1664x16xf32, #tpu.memory_space<hbm>>)
      tpu.yield
    }) : () -> ()
    %add3A_49 = arith.constant 9984 : i32
    %add3A_50 = arith.addi %mul3A_2, %add3A_49 : i32
    "tpu.region"() ({
      %run_scoped3A = tpu.sem_alloc : memref<!tpu.dma_semaphore, #tpu.memory_space<semaphore_mem>>
      %dma_start3A_65 = tpu.memref_slice %arg2[%add3A_50] : memref<425984xi32, #tpu.memory_space<hbm>> -> memref<1664xi32, #tpu.memory_space<hbm>>
      %dma_start3A_66 = tpu.memref_slice %arg2[%add3A_50] : memref<425984xi32, #tpu.memory_space<hbm>> -> memref<1664xi32, #tpu.memory_space<hbm>>
      tpu.enqueue_dma source(%dma_start3A_66 : memref<1664xi32, #tpu.memory_space<hbm>>) target(%arg5 : memref<1664xi32, #tpu.memory_space<vmem>>) target_semaphore(%run_scoped3A : memref<!tpu.dma_semaphore, #tpu.memory_space<semaphore_mem>>)
      %dma_wait3A_67 = tpu.memref_slice %arg2[%add3A_50] : memref<425984xi32, #tpu.memory_space<hbm>> -> memref<1664xi32, #tpu.memory_space<hbm>>
      %dma_wait3A_68 = tpu.memref_slice %arg2[%add3A_50] : memref<425984xi32, #tpu.memory_space<hbm>> -> memref<1664xi32, #tpu.memory_space<hbm>>
      tpu.wait_dma2 semaphore(%run_scoped3A : memref<!tpu.dma_semaphore, #tpu.memory_space<semaphore_mem>>) src(%dma_wait3A_68 : memref<1664xi32, #tpu.memory_space<hbm>>) dst(%arg5 : memref<1664xi32, #tpu.memory_space<vmem>>)
      tpu.yield
    }) : () -> ()
    %dma_start3A_51 = arith.constant 0 : i32
    %dma_start3A_52 = arith.constant 0 : i32
    %dma_start3A_53 = tpu.memref_slice %arg3[%dma_start3A_51, %dma_start3A_52] : memref<2703360x16xf32, #tpu.memory_space<hbm>> -> memref<2703360x16xf32, #tpu.memory_space<hbm>>
    tpu.enqueue_indirect_dma source(%dma_start3A_53 : memref<2703360x16xf32, #tpu.memory_space<hbm>>) target(%arg6 : memref<1664x16xf32, #tpu.memory_space<vmem>>) offsets(%arg5 : memref<1664xi32, #tpu.memory_space<vmem>>) semaphore(%arg7 : memref<!tpu.dma_semaphore, #tpu.memory_space<semaphore_mem>>)
    %dma_wait3A_54 = arith.constant 0 : i32
    %dma_wait3A_55 = arith.constant 0 : i32
    %dma_wait3A_56 = tpu.memref_slice %arg3[%dma_wait3A_54, %dma_wait3A_55] : memref<2703360x16xf32, #tpu.memory_space<hbm>> -> memref<2703360x16xf32, #tpu.memory_space<hbm>>
    tpu.wait_indirect_dma semaphore(%arg7 : memref<!tpu.dma_semaphore, #tpu.memory_space<semaphore_mem>>) src(%dma_wait3A_56 : memref<2703360x16xf32, #tpu.memory_space<hbm>>) dst(%arg6 : memref<1664x16xf32, #tpu.memory_space<vmem>>)
    "tpu.region"() ({
      %run_scoped3A = tpu.sem_alloc : memref<!tpu.dma_semaphore, #tpu.memory_space<semaphore_mem>>
      %dma_start3A_65 = arith.constant 0 : i32
      %dma_start3A_66 = tpu.memref_slice %arg4[%add3A_50, %dma_start3A_65] : memref<425984x16xf32, #tpu.memory_space<hbm>> -> memref<1664x16xf32, #tpu.memory_space<hbm>>
      %dma_start3A_67 = arith.constant 0 : i32
      %dma_start3A_68 = tpu.memref_slice %arg4[%add3A_50, %dma_start3A_67] : memref<425984x16xf32, #tpu.memory_space<hbm>> -> memref<1664x16xf32, #tpu.memory_space<hbm>>
      tpu.enqueue_dma source(%arg6 : memref<1664x16xf32, #tpu.memory_space<vmem>>) target(%dma_start3A_68 : memref<1664x16xf32, #tpu.memory_space<hbm>>) target_semaphore(%run_scoped3A : memref<!tpu.dma_semaphore, #tpu.memory_space<semaphore_mem>>)
      %dma_wait3A_69 = arith.constant 0 : i32
      %dma_wait3A_70 = tpu.memref_slice %arg4[%add3A_50, %dma_wait3A_69] : memref<425984x16xf32, #tpu.memory_space<hbm>> -> memref<1664x16xf32, #tpu.memory_space<hbm>>
      %dma_wait3A_71 = arith.constant 0 : i32
      %dma_wait3A_72 = tpu.memref_slice %arg4[%add3A_50, %dma_wait3A_71] : memref<425984x16xf32, #tpu.memory_space<hbm>> -> memref<1664x16xf32, #tpu.memory_space<hbm>>
      tpu.wait_dma2 semaphore(%run_scoped3A : memref<!tpu.dma_semaphore, #tpu.memory_space<semaphore_mem>>) src(%arg6 : memref<1664x16xf32, #tpu.memory_space<vmem>>) dst(%dma_wait3A_72 : memref<1664x16xf32, #tpu.memory_space<hbm>>)
      tpu.yield
    }) : () -> ()
    %add3A_57 = arith.constant 11648 : i32
    %add3A_58 = arith.addi %mul3A_2, %add3A_57 : i32
    "tpu.region"() ({
      %run_scoped3A = tpu.sem_alloc : memref<!tpu.dma_semaphore, #tpu.memory_space<semaphore_mem>>
      %dma_start3A_65 = tpu.memref_slice %arg2[%add3A_58] : memref<425984xi32, #tpu.memory_space<hbm>> -> memref<1664xi32, #tpu.memory_space<hbm>>
      %dma_start3A_66 = tpu.memref_slice %arg2[%add3A_58] : memref<425984xi32, #tpu.memory_space<hbm>> -> memref<1664xi32, #tpu.memory_space<hbm>>
      tpu.enqueue_dma source(%dma_start3A_66 : memref<1664xi32, #tpu.memory_space<hbm>>) target(%arg5 : memref<1664xi32, #tpu.memory_space<vmem>>) target_semaphore(%run_scoped3A : memref<!tpu.dma_semaphore, #tpu.memory_space<semaphore_mem>>)
      %dma_wait3A_67 = tpu.memref_slice %arg2[%add3A_58] : memref<425984xi32, #tpu.memory_space<hbm>> -> memref<1664xi32, #tpu.memory_space<hbm>>
      %dma_wait3A_68 = tpu.memref_slice %arg2[%add3A_58] : memref<425984xi32, #tpu.memory_space<hbm>> -> memref<1664xi32, #tpu.memory_space<hbm>>
      tpu.wait_dma2 semaphore(%run_scoped3A : memref<!tpu.dma_semaphore, #tpu.memory_space<semaphore_mem>>) src(%dma_wait3A_68 : memref<1664xi32, #tpu.memory_space<hbm>>) dst(%arg5 : memref<1664xi32, #tpu.memory_space<vmem>>)
      tpu.yield
    }) : () -> ()
    %dma_start3A_59 = arith.constant 0 : i32
    %dma_start3A_60 = arith.constant 0 : i32
    %dma_start3A_61 = tpu.memref_slice %arg3[%dma_start3A_59, %dma_start3A_60] : memref<2703360x16xf32, #tpu.memory_space<hbm>> -> memref<2703360x16xf32, #tpu.memory_space<hbm>>
    tpu.enqueue_indirect_dma source(%dma_start3A_61 : memref<2703360x16xf32, #tpu.memory_space<hbm>>) target(%arg6 : memref<1664x16xf32, #tpu.memory_space<vmem>>) offsets(%arg5 : memref<1664xi32, #tpu.memory_space<vmem>>) semaphore(%arg7 : memref<!tpu.dma_semaphore, #tpu.memory_space<semaphore_mem>>)
    %dma_wait3A_62 = arith.constant 0 : i32
    %dma_wait3A_63 = arith.constant 0 : i32
    %dma_wait3A_64 = tpu.memref_slice %arg3[%dma_wait3A_62, %dma_wait3A_63] : memref<2703360x16xf32, #tpu.memory_space<hbm>> -> memref<2703360x16xf32, #tpu.memory_space<hbm>>
    tpu.wait_indirect_dma semaphore(%arg7 : memref<!tpu.dma_semaphore, #tpu.memory_space<semaphore_mem>>) src(%dma_wait3A_64 : memref<2703360x16xf32, #tpu.memory_space<hbm>>) dst(%arg6 : memref<1664x16xf32, #tpu.memory_space<vmem>>)
    "tpu.region"() ({
      %run_scoped3A = tpu.sem_alloc : memref<!tpu.dma_semaphore, #tpu.memory_space<semaphore_mem>>
      %dma_start3A_65 = arith.constant 0 : i32
      %dma_start3A_66 = tpu.memref_slice %arg4[%add3A_58, %dma_start3A_65] : memref<425984x16xf32, #tpu.memory_space<hbm>> -> memref<1664x16xf32, #tpu.memory_space<hbm>>
      %dma_start3A_67 = arith.constant 0 : i32
      %dma_start3A_68 = tpu.memref_slice %arg4[%add3A_58, %dma_start3A_67] : memref<425984x16xf32, #tpu.memory_space<hbm>> -> memref<1664x16xf32, #tpu.memory_space<hbm>>
      tpu.enqueue_dma source(%arg6 : memref<1664x16xf32, #tpu.memory_space<vmem>>) target(%dma_start3A_68 : memref<1664x16xf32, #tpu.memory_space<hbm>>) target_semaphore(%run_scoped3A : memref<!tpu.dma_semaphore, #tpu.memory_space<semaphore_mem>>)
      %dma_wait3A_69 = arith.constant 0 : i32
      %dma_wait3A_70 = tpu.memref_slice %arg4[%add3A_58, %dma_wait3A_69] : memref<425984x16xf32, #tpu.memory_space<hbm>> -> memref<1664x16xf32, #tpu.memory_space<hbm>>
      %dma_wait3A_71 = arith.constant 0 : i32
      %dma_wait3A_72 = tpu.memref_slice %arg4[%add3A_58, %dma_wait3A_71] : memref<425984x16xf32, #tpu.memory_space<hbm>> -> memref<1664x16xf32, #tpu.memory_space<hbm>>
      tpu.wait_dma2 semaphore(%run_scoped3A : memref<!tpu.dma_semaphore, #tpu.memory_space<semaphore_mem>>) src(%arg6 : memref<1664x16xf32, #tpu.memory_space<vmem>>) dst(%dma_wait3A_72 : memref<1664x16xf32, #tpu.memory_space<hbm>>)
      tpu.yield
    }) : () -> ()
    return
  }
}

module attributes {stable_mosaic.version = 14 : i64} {
  func.func @_tp_body(%arg0: i32, %arg1: memref<16x16384xf32, #tpu.memory_space<vmem>>, %arg2: memref<2048x128xf32, #tpu.memory_space<vmem>>) attributes {dimension_semantics = [#tpu.dimension_semantics<arbitrary>], iteration_bounds = array<i64: 165>, scalar_prefetch = 0 : i64, scratch_operands = 0 : i64, tpu.core_type = #tpu.core_type<tc>, window_params = [{transform_indices = @transform_0, window_bounds = array<i64: 16, 16384>}, {transform_indices = @transform_1, window_bounds = array<i64: 2048, 128>}]} {
    %get3A = arith.constant 0 : index
    %get3A_0 = arith.constant 0 : index
    %get3A_1 = vector.load %arg1[%get3A, %get3A_0] : memref<16x16384xf32, #tpu.memory_space<vmem>>, vector<16x16384xf32>
    %slice3A = vector.extract_strided_slice %get3A_1 {offsets = [0, 0], sizes = [16, 2048], strides = [1, 1]} : vector<16x16384xf32> to vector<16x2048xf32>
    %slice3A_2 = vector.extract_strided_slice %slice3A {offsets = [0, 0], sizes = [16, 256], strides = [1, 1]} : vector<16x2048xf32> to vector<16x256xf32>
    %slice3A_3 = vector.extract_strided_slice %slice3A {offsets = [0, 256], sizes = [16, 256], strides = [1, 1]} : vector<16x2048xf32> to vector<16x256xf32>
    %slice3A_4 = vector.extract_strided_slice %slice3A {offsets = [0, 512], sizes = [16, 256], strides = [1, 1]} : vector<16x2048xf32> to vector<16x256xf32>
    %slice3A_5 = vector.extract_strided_slice %slice3A {offsets = [0, 768], sizes = [16, 256], strides = [1, 1]} : vector<16x2048xf32> to vector<16x256xf32>
    %slice3A_6 = vector.extract_strided_slice %slice3A {offsets = [0, 1024], sizes = [16, 256], strides = [1, 1]} : vector<16x2048xf32> to vector<16x256xf32>
    %slice3A_7 = vector.extract_strided_slice %slice3A {offsets = [0, 1280], sizes = [16, 256], strides = [1, 1]} : vector<16x2048xf32> to vector<16x256xf32>
    %slice3A_8 = vector.extract_strided_slice %slice3A {offsets = [0, 1536], sizes = [16, 256], strides = [1, 1]} : vector<16x2048xf32> to vector<16x256xf32>
    %slice3A_9 = vector.extract_strided_slice %slice3A {offsets = [0, 1792], sizes = [16, 256], strides = [1, 1]} : vector<16x2048xf32> to vector<16x256xf32>
    %concatenate3A = tpu.concatenate %slice3A_2, %slice3A_3, %slice3A_4, %slice3A_5, %slice3A_6, %slice3A_7, %slice3A_8, %slice3A_9 in 0 : vector<16x256xf32>, vector<16x256xf32>, vector<16x256xf32>, vector<16x256xf32>, vector<16x256xf32>, vector<16x256xf32>, vector<16x256xf32>, vector<16x256xf32> -> vector<128x256xf32>
    %transpose3A = tpu.transpose %concatenate3A, [1, 0] : vector<128x256xf32> -> vector<256x128xf32>
    %swap3A = arith.constant 0 : index
    %swap3A_10 = arith.constant 0 : index
    %swap3A_11 = vector.load %arg2[%swap3A, %swap3A_10] : memref<2048x128xf32, #tpu.memory_space<vmem>>, vector<256x128xf32>
    tpu.vector_store %arg2[%swap3A, %swap3A_10], %transpose3A {strides = array<i32>} : memref<2048x128xf32, #tpu.memory_space<vmem>>, vector<256x128xf32>,
    %slice3A_12 = vector.extract_strided_slice %get3A_1 {offsets = [0, 2048], sizes = [16, 2048], strides = [1, 1]} : vector<16x16384xf32> to vector<16x2048xf32>
    %slice3A_13 = vector.extract_strided_slice %slice3A_12 {offsets = [0, 0], sizes = [16, 256], strides = [1, 1]} : vector<16x2048xf32> to vector<16x256xf32>
    %slice3A_14 = vector.extract_strided_slice %slice3A_12 {offsets = [0, 256], sizes = [16, 256], strides = [1, 1]} : vector<16x2048xf32> to vector<16x256xf32>
    %slice3A_15 = vector.extract_strided_slice %slice3A_12 {offsets = [0, 512], sizes = [16, 256], strides = [1, 1]} : vector<16x2048xf32> to vector<16x256xf32>
    %slice3A_16 = vector.extract_strided_slice %slice3A_12 {offsets = [0, 768], sizes = [16, 256], strides = [1, 1]} : vector<16x2048xf32> to vector<16x256xf32>
    %slice3A_17 = vector.extract_strided_slice %slice3A_12 {offsets = [0, 1024], sizes = [16, 256], strides = [1, 1]} : vector<16x2048xf32> to vector<16x256xf32>
    %slice3A_18 = vector.extract_strided_slice %slice3A_12 {offsets = [0, 1280], sizes = [16, 256], strides = [1, 1]} : vector<16x2048xf32> to vector<16x256xf32>
    %slice3A_19 = vector.extract_strided_slice %slice3A_12 {offsets = [0, 1536], sizes = [16, 256], strides = [1, 1]} : vector<16x2048xf32> to vector<16x256xf32>
    %slice3A_20 = vector.extract_strided_slice %slice3A_12 {offsets = [0, 1792], sizes = [16, 256], strides = [1, 1]} : vector<16x2048xf32> to vector<16x256xf32>
    %concatenate3A_21 = tpu.concatenate %slice3A_13, %slice3A_14, %slice3A_15, %slice3A_16, %slice3A_17, %slice3A_18, %slice3A_19, %slice3A_20 in 0 : vector<16x256xf32>, vector<16x256xf32>, vector<16x256xf32>, vector<16x256xf32>, vector<16x256xf32>, vector<16x256xf32>, vector<16x256xf32>, vector<16x256xf32> -> vector<128x256xf32>
    %transpose3A_22 = tpu.transpose %concatenate3A_21, [1, 0] : vector<128x256xf32> -> vector<256x128xf32>
    %swap3A_23 = arith.constant 256 : index
    %swap3A_24 = arith.constant 0 : index
    %swap3A_25 = vector.load %arg2[%swap3A_23, %swap3A_24] : memref<2048x128xf32, #tpu.memory_space<vmem>>, vector<256x128xf32>
    tpu.vector_store %arg2[%swap3A_23, %swap3A_24], %transpose3A_22 {strides = array<i32>} : memref<2048x128xf32, #tpu.memory_space<vmem>>, vector<256x128xf32>,
    %slice3A_26 = vector.extract_strided_slice %get3A_1 {offsets = [0, 4096], sizes = [16, 2048], strides = [1, 1]} : vector<16x16384xf32> to vector<16x2048xf32>
    %slice3A_27 = vector.extract_strided_slice %slice3A_26 {offsets = [0, 0], sizes = [16, 256], strides = [1, 1]} : vector<16x2048xf32> to vector<16x256xf32>
    %slice3A_28 = vector.extract_strided_slice %slice3A_26 {offsets = [0, 256], sizes = [16, 256], strides = [1, 1]} : vector<16x2048xf32> to vector<16x256xf32>
    %slice3A_29 = vector.extract_strided_slice %slice3A_26 {offsets = [0, 512], sizes = [16, 256], strides = [1, 1]} : vector<16x2048xf32> to vector<16x256xf32>
    %slice3A_30 = vector.extract_strided_slice %slice3A_26 {offsets = [0, 768], sizes = [16, 256], strides = [1, 1]} : vector<16x2048xf32> to vector<16x256xf32>
    %slice3A_31 = vector.extract_strided_slice %slice3A_26 {offsets = [0, 1024], sizes = [16, 256], strides = [1, 1]} : vector<16x2048xf32> to vector<16x256xf32>
    %slice3A_32 = vector.extract_strided_slice %slice3A_26 {offsets = [0, 1280], sizes = [16, 256], strides = [1, 1]} : vector<16x2048xf32> to vector<16x256xf32>
    %slice3A_33 = vector.extract_strided_slice %slice3A_26 {offsets = [0, 1536], sizes = [16, 256], strides = [1, 1]} : vector<16x2048xf32> to vector<16x256xf32>
    %slice3A_34 = vector.extract_strided_slice %slice3A_26 {offsets = [0, 1792], sizes = [16, 256], strides = [1, 1]} : vector<16x2048xf32> to vector<16x256xf32>
    %concatenate3A_35 = tpu.concatenate %slice3A_27, %slice3A_28, %slice3A_29, %slice3A_30, %slice3A_31, %slice3A_32, %slice3A_33, %slice3A_34 in 0 : vector<16x256xf32>, vector<16x256xf32>, vector<16x256xf32>, vector<16x256xf32>, vector<16x256xf32>, vector<16x256xf32>, vector<16x256xf32>, vector<16x256xf32> -> vector<128x256xf32>
    %transpose3A_36 = tpu.transpose %concatenate3A_35, [1, 0] : vector<128x256xf32> -> vector<256x128xf32>
    %swap3A_37 = arith.constant 512 : index
    %swap3A_38 = arith.constant 0 : index
    %swap3A_39 = vector.load %arg2[%swap3A_37, %swap3A_38] : memref<2048x128xf32, #tpu.memory_space<vmem>>, vector<256x128xf32>
    tpu.vector_store %arg2[%swap3A_37, %swap3A_38], %transpose3A_36 {strides = array<i32>} : memref<2048x128xf32, #tpu.memory_space<vmem>>, vector<256x128xf32>,
    %slice3A_40 = vector.extract_strided_slice %get3A_1 {offsets = [0, 6144], sizes = [16, 2048], strides = [1, 1]} : vector<16x16384xf32> to vector<16x2048xf32>
    %slice3A_41 = vector.extract_strided_slice %slice3A_40 {offsets = [0, 0], sizes = [16, 256], strides = [1, 1]} : vector<16x2048xf32> to vector<16x256xf32>
    %slice3A_42 = vector.extract_strided_slice %slice3A_40 {offsets = [0, 256], sizes = [16, 256], strides = [1, 1]} : vector<16x2048xf32> to vector<16x256xf32>
    %slice3A_43 = vector.extract_strided_slice %slice3A_40 {offsets = [0, 512], sizes = [16, 256], strides = [1, 1]} : vector<16x2048xf32> to vector<16x256xf32>
    %slice3A_44 = vector.extract_strided_slice %slice3A_40 {offsets = [0, 768], sizes = [16, 256], strides = [1, 1]} : vector<16x2048xf32> to vector<16x256xf32>
    %slice3A_45 = vector.extract_strided_slice %slice3A_40 {offsets = [0, 1024], sizes = [16, 256], strides = [1, 1]} : vector<16x2048xf32> to vector<16x256xf32>
    %slice3A_46 = vector.extract_strided_slice %slice3A_40 {offsets = [0, 1280], sizes = [16, 256], strides = [1, 1]} : vector<16x2048xf32> to vector<16x256xf32>
    %slice3A_47 = vector.extract_strided_slice %slice3A_40 {offsets = [0, 1536], sizes = [16, 256], strides = [1, 1]} : vector<16x2048xf32> to vector<16x256xf32>
    %slice3A_48 = vector.extract_strided_slice %slice3A_40 {offsets = [0, 1792], sizes = [16, 256], strides = [1, 1]} : vector<16x2048xf32> to vector<16x256xf32>
    %concatenate3A_49 = tpu.concatenate %slice3A_41, %slice3A_42, %slice3A_43, %slice3A_44, %slice3A_45, %slice3A_46, %slice3A_47, %slice3A_48 in 0 : vector<16x256xf32>, vector<16x256xf32>, vector<16x256xf32>, vector<16x256xf32>, vector<16x256xf32>, vector<16x256xf32>, vector<16x256xf32>, vector<16x256xf32> -> vector<128x256xf32>
    %transpose3A_50 = tpu.transpose %concatenate3A_49, [1, 0] : vector<128x256xf32> -> vector<256x128xf32>
    %swap3A_51 = arith.constant 768 : index
    %swap3A_52 = arith.constant 0 : index
    %swap3A_53 = vector.load %arg2[%swap3A_51, %swap3A_52] : memref<2048x128xf32, #tpu.memory_space<vmem>>, vector<256x128xf32>
    tpu.vector_store %arg2[%swap3A_51, %swap3A_52], %transpose3A_50 {strides = array<i32>} : memref<2048x128xf32, #tpu.memory_space<vmem>>, vector<256x128xf32>,
    %slice3A_54 = vector.extract_strided_slice %get3A_1 {offsets = [0, 8192], sizes = [16, 2048], strides = [1, 1]} : vector<16x16384xf32> to vector<16x2048xf32>
    %slice3A_55 = vector.extract_strided_slice %slice3A_54 {offsets = [0, 0], sizes = [16, 256], strides = [1, 1]} : vector<16x2048xf32> to vector<16x256xf32>
    %slice3A_56 = vector.extract_strided_slice %slice3A_54 {offsets = [0, 256], sizes = [16, 256], strides = [1, 1]} : vector<16x2048xf32> to vector<16x256xf32>
    %slice3A_57 = vector.extract_strided_slice %slice3A_54 {offsets = [0, 512], sizes = [16, 256], strides = [1, 1]} : vector<16x2048xf32> to vector<16x256xf32>
    %slice3A_58 = vector.extract_strided_slice %slice3A_54 {offsets = [0, 768], sizes = [16, 256], strides = [1, 1]} : vector<16x2048xf32> to vector<16x256xf32>
    %slice3A_59 = vector.extract_strided_slice %slice3A_54 {offsets = [0, 1024], sizes = [16, 256], strides = [1, 1]} : vector<16x2048xf32> to vector<16x256xf32>
    %slice3A_60 = vector.extract_strided_slice %slice3A_54 {offsets = [0, 1280], sizes = [16, 256], strides = [1, 1]} : vector<16x2048xf32> to vector<16x256xf32>
    %slice3A_61 = vector.extract_strided_slice %slice3A_54 {offsets = [0, 1536], sizes = [16, 256], strides = [1, 1]} : vector<16x2048xf32> to vector<16x256xf32>
    %slice3A_62 = vector.extract_strided_slice %slice3A_54 {offsets = [0, 1792], sizes = [16, 256], strides = [1, 1]} : vector<16x2048xf32> to vector<16x256xf32>
    %concatenate3A_63 = tpu.concatenate %slice3A_55, %slice3A_56, %slice3A_57, %slice3A_58, %slice3A_59, %slice3A_60, %slice3A_61, %slice3A_62 in 0 : vector<16x256xf32>, vector<16x256xf32>, vector<16x256xf32>, vector<16x256xf32>, vector<16x256xf32>, vector<16x256xf32>, vector<16x256xf32>, vector<16x256xf32> -> vector<128x256xf32>
    %transpose3A_64 = tpu.transpose %concatenate3A_63, [1, 0] : vector<128x256xf32> -> vector<256x128xf32>
    %swap3A_65 = arith.constant 1024 : index
    %swap3A_66 = arith.constant 0 : index
    %swap3A_67 = vector.load %arg2[%swap3A_65, %swap3A_66] : memref<2048x128xf32, #tpu.memory_space<vmem>>, vector<256x128xf32>
    tpu.vector_store %arg2[%swap3A_65, %swap3A_66], %transpose3A_64 {strides = array<i32>} : memref<2048x128xf32, #tpu.memory_space<vmem>>, vector<256x128xf32>,
    %slice3A_68 = vector.extract_strided_slice %get3A_1 {offsets = [0, 10240], sizes = [16, 2048], strides = [1, 1]} : vector<16x16384xf32> to vector<16x2048xf32>
    %slice3A_69 = vector.extract_strided_slice %slice3A_68 {offsets = [0, 0], sizes = [16, 256], strides = [1, 1]} : vector<16x2048xf32> to vector<16x256xf32>
    %slice3A_70 = vector.extract_strided_slice %slice3A_68 {offsets = [0, 256], sizes = [16, 256], strides = [1, 1]} : vector<16x2048xf32> to vector<16x256xf32>
    %slice3A_71 = vector.extract_strided_slice %slice3A_68 {offsets = [0, 512], sizes = [16, 256], strides = [1, 1]} : vector<16x2048xf32> to vector<16x256xf32>
    %slice3A_72 = vector.extract_strided_slice %slice3A_68 {offsets = [0, 768], sizes = [16, 256], strides = [1, 1]} : vector<16x2048xf32> to vector<16x256xf32>
    %slice3A_73 = vector.extract_strided_slice %slice3A_68 {offsets = [0, 1024], sizes = [16, 256], strides = [1, 1]} : vector<16x2048xf32> to vector<16x256xf32>
    %slice3A_74 = vector.extract_strided_slice %slice3A_68 {offsets = [0, 1280], sizes = [16, 256], strides = [1, 1]} : vector<16x2048xf32> to vector<16x256xf32>
    %slice3A_75 = vector.extract_strided_slice %slice3A_68 {offsets = [0, 1536], sizes = [16, 256], strides = [1, 1]} : vector<16x2048xf32> to vector<16x256xf32>
    %slice3A_76 = vector.extract_strided_slice %slice3A_68 {offsets = [0, 1792], sizes = [16, 256], strides = [1, 1]} : vector<16x2048xf32> to vector<16x256xf32>
    %concatenate3A_77 = tpu.concatenate %slice3A_69, %slice3A_70, %slice3A_71, %slice3A_72, %slice3A_73, %slice3A_74, %slice3A_75, %slice3A_76 in 0 : vector<16x256xf32>, vector<16x256xf32>, vector<16x256xf32>, vector<16x256xf32>, vector<16x256xf32>, vector<16x256xf32>, vector<16x256xf32>, vector<16x256xf32> -> vector<128x256xf32>
    %transpose3A_78 = tpu.transpose %concatenate3A_77, [1, 0] : vector<128x256xf32> -> vector<256x128xf32>
    %swap3A_79 = arith.constant 1280 : index
    %swap3A_80 = arith.constant 0 : index
    %swap3A_81 = vector.load %arg2[%swap3A_79, %swap3A_80] : memref<2048x128xf32, #tpu.memory_space<vmem>>, vector<256x128xf32>
    tpu.vector_store %arg2[%swap3A_79, %swap3A_80], %transpose3A_78 {strides = array<i32>} : memref<2048x128xf32, #tpu.memory_space<vmem>>, vector<256x128xf32>,
    %slice3A_82 = vector.extract_strided_slice %get3A_1 {offsets = [0, 12288], sizes = [16, 2048], strides = [1, 1]} : vector<16x16384xf32> to vector<16x2048xf32>
    %slice3A_83 = vector.extract_strided_slice %slice3A_82 {offsets = [0, 0], sizes = [16, 256], strides = [1, 1]} : vector<16x2048xf32> to vector<16x256xf32>
    %slice3A_84 = vector.extract_strided_slice %slice3A_82 {offsets = [0, 256], sizes = [16, 256], strides = [1, 1]} : vector<16x2048xf32> to vector<16x256xf32>
    %slice3A_85 = vector.extract_strided_slice %slice3A_82 {offsets = [0, 512], sizes = [16, 256], strides = [1, 1]} : vector<16x2048xf32> to vector<16x256xf32>
    %slice3A_86 = vector.extract_strided_slice %slice3A_82 {offsets = [0, 768], sizes = [16, 256], strides = [1, 1]} : vector<16x2048xf32> to vector<16x256xf32>
    %slice3A_87 = vector.extract_strided_slice %slice3A_82 {offsets = [0, 1024], sizes = [16, 256], strides = [1, 1]} : vector<16x2048xf32> to vector<16x256xf32>
    %slice3A_88 = vector.extract_strided_slice %slice3A_82 {offsets = [0, 1280], sizes = [16, 256], strides = [1, 1]} : vector<16x2048xf32> to vector<16x256xf32>
    %slice3A_89 = vector.extract_strided_slice %slice3A_82 {offsets = [0, 1536], sizes = [16, 256], strides = [1, 1]} : vector<16x2048xf32> to vector<16x256xf32>
    %slice3A_90 = vector.extract_strided_slice %slice3A_82 {offsets = [0, 1792], sizes = [16, 256], strides = [1, 1]} : vector<16x2048xf32> to vector<16x256xf32>
    %concatenate3A_91 = tpu.concatenate %slice3A_83, %slice3A_84, %slice3A_85, %slice3A_86, %slice3A_87, %slice3A_88, %slice3A_89, %slice3A_90 in 0 : vector<16x256xf32>, vector<16x256xf32>, vector<16x256xf32>, vector<16x256xf32>, vector<16x256xf32>, vector<16x256xf32>, vector<16x256xf32>, vector<16x256xf32> -> vector<128x256xf32>
    %transpose3A_92 = tpu.transpose %concatenate3A_91, [1, 0] : vector<128x256xf32> -> vector<256x128xf32>
    %swap3A_93 = arith.constant 1536 : index
    %swap3A_94 = arith.constant 0 : index
    %swap3A_95 = vector.load %arg2[%swap3A_93, %swap3A_94] : memref<2048x128xf32, #tpu.memory_space<vmem>>, vector<256x128xf32>
    tpu.vector_store %arg2[%swap3A_93, %swap3A_94], %transpose3A_92 {strides = array<i32>} : memref<2048x128xf32, #tpu.memory_space<vmem>>, vector<256x128xf32>,
    %slice3A_96 = vector.extract_strided_slice %get3A_1 {offsets = [0, 14336], sizes = [16, 2048], strides = [1, 1]} : vector<16x16384xf32> to vector<16x2048xf32>
    %slice3A_97 = vector.extract_strided_slice %slice3A_96 {offsets = [0, 0], sizes = [16, 256], strides = [1, 1]} : vector<16x2048xf32> to vector<16x256xf32>
    %slice3A_98 = vector.extract_strided_slice %slice3A_96 {offsets = [0, 256], sizes = [16, 256], strides = [1, 1]} : vector<16x2048xf32> to vector<16x256xf32>
    %slice3A_99 = vector.extract_strided_slice %slice3A_96 {offsets = [0, 512], sizes = [16, 256], strides = [1, 1]} : vector<16x2048xf32> to vector<16x256xf32>
    %slice3A_100 = vector.extract_strided_slice %slice3A_96 {offsets = [0, 768], sizes = [16, 256], strides = [1, 1]} : vector<16x2048xf32> to vector<16x256xf32>
    %slice3A_101 = vector.extract_strided_slice %slice3A_96 {offsets = [0, 1024], sizes = [16, 256], strides = [1, 1]} : vector<16x2048xf32> to vector<16x256xf32>
    %slice3A_102 = vector.extract_strided_slice %slice3A_96 {offsets = [0, 1280], sizes = [16, 256], strides = [1, 1]} : vector<16x2048xf32> to vector<16x256xf32>
    %slice3A_103 = vector.extract_strided_slice %slice3A_96 {offsets = [0, 1536], sizes = [16, 256], strides = [1, 1]} : vector<16x2048xf32> to vector<16x256xf32>
    %slice3A_104 = vector.extract_strided_slice %slice3A_96 {offsets = [0, 1792], sizes = [16, 256], strides = [1, 1]} : vector<16x2048xf32> to vector<16x256xf32>
    %concatenate3A_105 = tpu.concatenate %slice3A_97, %slice3A_98, %slice3A_99, %slice3A_100, %slice3A_101, %slice3A_102, %slice3A_103, %slice3A_104 in 0 : vector<16x256xf32>, vector<16x256xf32>, vector<16x256xf32>, vector<16x256xf32>, vector<16x256xf32>, vector<16x256xf32>, vector<16x256xf32>, vector<16x256xf32> -> vector<128x256xf32>
    %transpose3A_106 = tpu.transpose %concatenate3A_105, [1, 0] : vector<128x256xf32> -> vector<256x128xf32>
    %swap3A_107 = arith.constant 1792 : index
    %swap3A_108 = arith.constant 0 : index
    %swap3A_109 = vector.load %arg2[%swap3A_107, %swap3A_108] : memref<2048x128xf32, #tpu.memory_space<vmem>>, vector<256x128xf32>
    tpu.vector_store %arg2[%swap3A_107, %swap3A_108], %transpose3A_106 {strides = array<i32>} : memref<2048x128xf32, #tpu.memory_space<vmem>>, vector<256x128xf32>,
    return
  }
  func.func @transform_0(%arg0: i32) -> (i32, i32) {
    %c0_i32 = arith.constant 0 : i32
    %c0_i32_0 = arith.constant 0 : i32
    return %c0_i32, %arg0 : i32, i32
  }
  func.func @transform_1(%arg0: i32) -> (i32, i32) {
    %c0_i32 = arith.constant 0 : i32
    %c0_i32_0 = arith.constant 0 : i32
    return %arg0, %c0_i32 : i32, i32
  }
}

module attributes {stable_mosaic.version = 14 : i64} {
  func.func @_tc_body(%arg0: i32, %arg1: memref<2048x416xf32, #tpu.memory_space<vmem>>, %arg2: memref<416x16xf32, #tpu.memory_space<vmem>>, %arg3: memref<416x16xf32, #tpu.memory_space<vmem>>, %arg4: memref<1x16xf32, #tpu.memory_space<vmem>>, %arg5: memref<1x16xf32, #tpu.memory_space<vmem>>, %arg6: memref<1x16xf32, #tpu.memory_space<vmem>>, %arg7: memref<16x32xf32, #tpu.memory_space<vmem>>, %arg8: memref<1x32xf32, #tpu.memory_space<vmem>>, %arg9: memref<1x32xf32, #tpu.memory_space<vmem>>, %arg10: memref<1x32xf32, #tpu.memory_space<vmem>>, %arg11: memref<32x16xf32, #tpu.memory_space<vmem>>, %arg12: memref<1x16xf32, #tpu.memory_space<vmem>>, %arg13: memref<1x16xf32, #tpu.memory_space<vmem>>, %arg14: memref<1x16xf32, #tpu.memory_space<vmem>>, %arg15: memref<16x1xf32, #tpu.memory_space<vmem>>, %arg16: memref<1x1xf32, #tpu.memory_space<vmem>>, %arg17: memref<2048x1xf32, #tpu.memory_space<vmem>>) attributes {dimension_semantics = [#tpu.dimension_semantics<arbitrary>], iteration_bounds = array<i64: 8>, scalar_prefetch = 0 : i64, scratch_operands = 0 : i64, tpu.core_type = #tpu.core_type<tc>, window_params = [{transform_indices = @transform_0, window_bounds = array<i64: 2048, 416>}, {pipeline_mode = #tpu.pipeline_mode<synchronous>, transform_indices = @transform_1, window_bounds = array<i64: 416, 16>}, {pipeline_mode = #tpu.pipeline_mode<synchronous>, transform_indices = @transform_2, window_bounds = array<i64: 416, 16>}, {pipeline_mode = #tpu.pipeline_mode<synchronous>, transform_indices = @transform_3, window_bounds = array<i64: 1, 16>}, {pipeline_mode = #tpu.pipeline_mode<synchronous>, transform_indices = @transform_4, window_bounds = array<i64: 1, 16>}, {pipeline_mode = #tpu.pipeline_mode<synchronous>, transform_indices = @transform_5, window_bounds = array<i64: 1, 16>}, {pipeline_mode = #tpu.pipeline_mode<synchronous>, transform_indices = @transform_6, window_bounds = array<i64: 16, 32>}, {pipeline_mode = #tpu.pipeline_mode<synchronous>, transform_indices = @transform_7, window_bounds = array<i64: 1, 32>}, {pipeline_mode = #tpu.pipeline_mode<synchronous>, transform_indices = @transform_8, window_bounds = array<i64: 1, 32>}, {pipeline_mode = #tpu.pipeline_mode<synchronous>, transform_indices = @transform_9, window_bounds = array<i64: 1, 32>}, {pipeline_mode = #tpu.pipeline_mode<synchronous>, transform_indices = @transform_10, window_bounds = array<i64: 32, 16>}, {pipeline_mode = #tpu.pipeline_mode<synchronous>, transform_indices = @transform_11, window_bounds = array<i64: 1, 16>}, {pipeline_mode = #tpu.pipeline_mode<synchronous>, transform_indices = @transform_12, window_bounds = array<i64: 1, 16>}, {pipeline_mode = #tpu.pipeline_mode<synchronous>, transform_indices = @transform_13, window_bounds = array<i64: 1, 16>}, {pipeline_mode = #tpu.pipeline_mode<synchronous>, transform_indices = @transform_14, window_bounds = array<i64: 16, 1>}, {pipeline_mode = #tpu.pipeline_mode<synchronous>, transform_indices = @transform_15, window_bounds = array<i64: 1, 1>}, {transform_indices = @transform_16, window_bounds = array<i64: 2048, 1>}]} {
    %get3A = arith.constant 0 : index
    %get3A_0 = arith.constant 0 : index
    %get3A_1 = vector.load %arg1[%get3A, %get3A_0] : memref<2048x416xf32, #tpu.memory_space<vmem>>, vector<2048x416xf32>
    %get3A_2 = arith.constant 0 : index
    %get3A_3 = arith.constant 0 : index
    %get3A_4 = vector.load %arg2[%get3A_2, %get3A_3] : memref<416x16xf32, #tpu.memory_space<vmem>>, vector<416x16xf32>
    %dot_general3A = arith.constant dense<0.000000e+00> : vector<2048x16xf32>
    %dot_general3A_5 = tpu.matmul %get3A_1, %get3A_4, %dot_general3A {dimension_numbers = #tpu.dot_dimension_numbers<[1], [0], [0], [1], [0, 0, 1, 1], [], []>, transpose_lhs_hint = false} : vector<2048x416xf32>, vector<416x16xf32>, vector<2048x16xf32> -> vector<2048x16xf32>
    %mul3A = arith.mulf %get3A_1, %get3A_1 : vector<2048x416xf32>
    %reduce_sum3A = arith.constant dense<0.000000e+00> : vector<2048xf32>
    %reduce_sum3A_6 = vector.multi_reduction <add>, %mul3A, %reduce_sum3A [1] : vector<2048x416xf32> to vector<2048xf32>
    %broadcast_in_dim3A = vector.shape_cast %reduce_sum3A_6 : vector<2048xf32> to vector<2048x1xf32>
    %mul3A_7 = arith.mulf %dot_general3A_5, %dot_general3A_5 : vector<2048x16xf32>
    %reduce_sum3A_8 = arith.constant dense<0.000000e+00> : vector<2048xf32>
    %reduce_sum3A_9 = vector.multi_reduction <add>, %mul3A_7, %reduce_sum3A_8 [1] : vector<2048x16xf32> to vector<2048xf32>
    %broadcast_in_dim3A_10 = vector.shape_cast %reduce_sum3A_9 : vector<2048xf32> to vector<2048x1xf32>
    %sub3A = arith.subf %broadcast_in_dim3A_10, %broadcast_in_dim3A : vector<2048x1xf32>
    %mul3A_11 = arith.constant 5.000000e-01 : f32
    %mul3A_12 = vector.broadcast %mul3A_11 : f32 to vector<2048x1xf32>
    %mul3A_13 = arith.mulf %mul3A_12, %sub3A : vector<2048x1xf32>
    %get3A_14 = arith.constant 0 : index
    %get3A_15 = arith.constant 0 : index
    %get3A_16 = vector.load %arg3[%get3A_14, %get3A_15] : memref<416x16xf32, #tpu.memory_space<vmem>>, vector<416x16xf32>
    %dot_general3A_17 = arith.constant dense<0.000000e+00> : vector<2048x16xf32>
    %dot_general3A_18 = tpu.matmul %get3A_1, %get3A_16, %dot_general3A_17 {dimension_numbers = #tpu.dot_dimension_numbers<[1], [0], [0], [1], [0, 0, 1, 1], [], []>, transpose_lhs_hint = false} : vector<2048x416xf32>, vector<416x16xf32>, vector<2048x16xf32> -> vector<2048x16xf32>
    %get3A_19 = arith.constant 0 : index
    %get3A_20 = arith.constant 0 : index
    %get3A_21 = vector.load %arg4[%get3A_19, %get3A_20] : memref<1x16xf32, #tpu.memory_space<vmem>>, vector<1x16xf32>
    %add3A = vector.broadcast %get3A_21 : vector<1x16xf32> to vector<2048x16xf32>
    %add3A_22 = arith.addf %dot_general3A_18, %add3A : vector<2048x16xf32>
    %get3A_23 = arith.constant 0 : index
    %get3A_24 = arith.constant 0 : index
    %get3A_25 = vector.load %arg5[%get3A_23, %get3A_24] : memref<1x16xf32, #tpu.memory_space<vmem>>, vector<1x16xf32>
    %mul3A_26 = vector.broadcast %get3A_25 : vector<1x16xf32> to vector<2048x16xf32>
    %mul3A_27 = arith.mulf %mul3A_26, %add3A_22 : vector<2048x16xf32>
    %mul3A_28 = arith.constant 0.999994993 : f32
    %mul3A_29 = vector.broadcast %mul3A_28 : f32 to vector<2048x16xf32>
    %mul3A_30 = arith.mulf %mul3A_27, %mul3A_29 : vector<2048x16xf32>
    %get3A_31 = arith.constant 0 : index
    %get3A_32 = arith.constant 0 : index
    %get3A_33 = vector.load %arg6[%get3A_31, %get3A_32] : memref<1x16xf32, #tpu.memory_space<vmem>>, vector<1x16xf32>
    %add3A_34 = vector.broadcast %get3A_33 : vector<1x16xf32> to vector<2048x16xf32>
    %add3A_35 = arith.addf %mul3A_30, %add3A_34 : vector<2048x16xf32>
    %max3A = arith.constant 0.000000e+00 : f32
    %max3A_36 = vector.broadcast %max3A : f32 to vector<2048x16xf32>
    %max3A_37 = arith.maximumf %add3A_35, %max3A_36 : vector<2048x16xf32>
    %get3A_38 = arith.constant 0 : index
    %get3A_39 = arith.constant 0 : index
    %get3A_40 = vector.load %arg7[%get3A_38, %get3A_39] : memref<16x32xf32, #tpu.memory_space<vmem>>, vector<16x32xf32>
    %dot_general3A_41 = arith.constant dense<0.000000e+00> : vector<2048x32xf32>
    %dot_general3A_42 = tpu.matmul %max3A_37, %get3A_40, %dot_general3A_41 {dimension_numbers = #tpu.dot_dimension_numbers<[1], [0], [0], [1], [0, 0, 1, 1], [], []>, transpose_lhs_hint = false} : vector<2048x16xf32>, vector<16x32xf32>, vector<2048x32xf32> -> vector<2048x32xf32>
    %get3A_43 = arith.constant 0 : index
    %get3A_44 = arith.constant 0 : index
    %get3A_45 = vector.load %arg8[%get3A_43, %get3A_44] : memref<1x32xf32, #tpu.memory_space<vmem>>, vector<1x32xf32>
    %add3A_46 = vector.broadcast %get3A_45 : vector<1x32xf32> to vector<2048x32xf32>
    %add3A_47 = arith.addf %dot_general3A_42, %add3A_46 : vector<2048x32xf32>
    %get3A_48 = arith.constant 0 : index
    %get3A_49 = arith.constant 0 : index
    %get3A_50 = vector.load %arg9[%get3A_48, %get3A_49] : memref<1x32xf32, #tpu.memory_space<vmem>>, vector<1x32xf32>
    %mul3A_51 = vector.broadcast %get3A_50 : vector<1x32xf32> to vector<2048x32xf32>
    %mul3A_52 = arith.mulf %mul3A_51, %add3A_47 : vector<2048x32xf32>
    %mul3A_53 = arith.constant 0.999994993 : f32
    %mul3A_54 = vector.broadcast %mul3A_53 : f32 to vector<2048x32xf32>
    %mul3A_55 = arith.mulf %mul3A_52, %mul3A_54 : vector<2048x32xf32>
    %get3A_56 = arith.constant 0 : index
    %get3A_57 = arith.constant 0 : index
    %get3A_58 = vector.load %arg10[%get3A_56, %get3A_57] : memref<1x32xf32, #tpu.memory_space<vmem>>, vector<1x32xf32>
    %add3A_59 = vector.broadcast %get3A_58 : vector<1x32xf32> to vector<2048x32xf32>
    %add3A_60 = arith.addf %mul3A_55, %add3A_59 : vector<2048x32xf32>
    %max3A_61 = arith.constant 0.000000e+00 : f32
    %max3A_62 = vector.broadcast %max3A_61 : f32 to vector<2048x32xf32>
    %max3A_63 = arith.maximumf %add3A_60, %max3A_62 : vector<2048x32xf32>
    %get3A_64 = arith.constant 0 : index
    %get3A_65 = arith.constant 0 : index
    %get3A_66 = vector.load %arg11[%get3A_64, %get3A_65] : memref<32x16xf32, #tpu.memory_space<vmem>>, vector<32x16xf32>
    %dot_general3A_67 = arith.constant dense<0.000000e+00> : vector<2048x16xf32>
    %dot_general3A_68 = tpu.matmul %max3A_63, %get3A_66, %dot_general3A_67 {dimension_numbers = #tpu.dot_dimension_numbers<[1], [0], [0], [1], [0, 0, 1, 1], [], []>, transpose_lhs_hint = false} : vector<2048x32xf32>, vector<32x16xf32>, vector<2048x16xf32> -> vector<2048x16xf32>
    %get3A_69 = arith.constant 0 : index
    %get3A_70 = arith.constant 0 : index
    %get3A_71 = vector.load %arg12[%get3A_69, %get3A_70] : memref<1x16xf32, #tpu.memory_space<vmem>>, vector<1x16xf32>
    %add3A_72 = vector.broadcast %get3A_71 : vector<1x16xf32> to vector<2048x16xf32>
    %add3A_73 = arith.addf %dot_general3A_68, %add3A_72 : vector<2048x16xf32>
    %get3A_74 = arith.constant 0 : index
    %get3A_75 = arith.constant 0 : index
    %get3A_76 = vector.load %arg13[%get3A_74, %get3A_75] : memref<1x16xf32, #tpu.memory_space<vmem>>, vector<1x16xf32>
    %mul3A_77 = vector.broadcast %get3A_76 : vector<1x16xf32> to vector<2048x16xf32>
    %mul3A_78 = arith.mulf %mul3A_77, %add3A_73 : vector<2048x16xf32>
    %mul3A_79 = arith.constant 0.999994993 : f32
    %mul3A_80 = vector.broadcast %mul3A_79 : f32 to vector<2048x16xf32>
    %mul3A_81 = arith.mulf %mul3A_78, %mul3A_80 : vector<2048x16xf32>
    %get3A_82 = arith.constant 0 : index
    %get3A_83 = arith.constant 0 : index
    %get3A_84 = vector.load %arg14[%get3A_82, %get3A_83] : memref<1x16xf32, #tpu.memory_space<vmem>>, vector<1x16xf32>
    %add3A_85 = vector.broadcast %get3A_84 : vector<1x16xf32> to vector<2048x16xf32>
    %add3A_86 = arith.addf %mul3A_81, %add3A_85 : vector<2048x16xf32>
    %max3A_87 = arith.constant 0.000000e+00 : f32
    %max3A_88 = vector.broadcast %max3A_87 : f32 to vector<2048x16xf32>
    %max3A_89 = arith.maximumf %add3A_86, %max3A_88 : vector<2048x16xf32>
    %get3A_90 = arith.constant 0 : index
    %get3A_91 = arith.constant 0 : index
    %get3A_92 = vector.load %arg15[%get3A_90, %get3A_91] : memref<16x1xf32, #tpu.memory_space<vmem>>, vector<16x1xf32>
    %dot_general3A_93 = arith.constant dense<0.000000e+00> : vector<2048x1xf32>
    %dot_general3A_94 = tpu.matmul %max3A_89, %get3A_92, %dot_general3A_93 {dimension_numbers = #tpu.dot_dimension_numbers<[1], [0], [0], [1], [0, 0, 1, 1], [], []>, transpose_lhs_hint = false} : vector<2048x16xf32>, vector<16x1xf32>, vector<2048x1xf32> -> vector<2048x1xf32>
    %get3A_95 = arith.constant 0 : index
    %get3A_96 = arith.constant 0 : index
    %get3A_97 = vector.load %arg16[%get3A_95, %get3A_96] : memref<1x1xf32, #tpu.memory_space<vmem>>, vector<1x1xf32>
    %add3A_98 = vector.broadcast %get3A_97 : vector<1x1xf32> to vector<2048x1xf32>
    %add3A_99 = arith.addf %dot_general3A_94, %add3A_98 : vector<2048x1xf32>
    %mul3A_100 = arith.constant 1.273700e+00 : f32
    %mul3A_101 = vector.broadcast %mul3A_100 : f32 to vector<2048x1xf32>
    %mul3A_102 = arith.mulf %mul3A_13, %mul3A_101 : vector<2048x1xf32>
    %mul3A_103 = arith.constant 1.341000e+00 : f32
    %mul3A_104 = vector.broadcast %mul3A_103 : f32 to vector<2048x1xf32>
    %mul3A_105 = arith.mulf %add3A_99, %mul3A_104 : vector<2048x1xf32>
    %add3A_106 = arith.addf %mul3A_102, %mul3A_105 : vector<2048x1xf32>
    %swap3A = arith.constant 0 : index
    %swap3A_107 = arith.constant 0 : index
    %swap3A_108 = vector.load %arg17[%swap3A, %swap3A_107] : memref<2048x1xf32, #tpu.memory_space<vmem>>, vector<2048x1xf32>
    tpu.vector_store %arg17[%swap3A, %swap3A_107], %add3A_106 {strides = array<i32>} : memref<2048x1xf32, #tpu.memory_space<vmem>>, vector<2048x1xf32>,
    return
  }
  func.func @transform_0(%arg0: i32) -> (i32, i32) {
    %c0_i32 = arith.constant 0 : i32
    %c0_i32_0 = arith.constant 0 : i32
    return %arg0, %c0_i32 : i32, i32
  }
  func.func @transform_1(%arg0: i32) -> (i32, i32) {
    %c0_i32 = arith.constant 0 : i32
    %c0_i32_0 = arith.constant 0 : i32
    %c0_i32_1 = arith.constant 0 : i32
    return %c0_i32, %c0_i32_0 : i32, i32
  }
  func.func @transform_2(%arg0: i32) -> (i32, i32) {
    %c0_i32 = arith.constant 0 : i32
    %c0_i32_0 = arith.constant 0 : i32
    %c0_i32_1 = arith.constant 0 : i32
    return %c0_i32, %c0_i32_0 : i32, i32
  }
  func.func @transform_3(%arg0: i32) -> (i32, i32) {
    %c0_i32 = arith.constant 0 : i32
    %c0_i32_0 = arith.constant 0 : i32
    %c0_i32_1 = arith.constant 0 : i32
    return %c0_i32, %c0_i32_0 : i32, i32
  }
  func.func @transform_4(%arg0: i32) -> (i32, i32) {
    %c0_i32 = arith.constant 0 : i32
    %c0_i32_0 = arith.constant 0 : i32
    %c0_i32_1 = arith.constant 0 : i32
    return %c0_i32, %c0_i32_0 : i32, i32
  }
  func.func @transform_5(%arg0: i32) -> (i32, i32) {
    %c0_i32 = arith.constant 0 : i32
    %c0_i32_0 = arith.constant 0 : i32
    %c0_i32_1 = arith.constant 0 : i32
    return %c0_i32, %c0_i32_0 : i32, i32
  }
  func.func @transform_6(%arg0: i32) -> (i32, i32) {
    %c0_i32 = arith.constant 0 : i32
    %c0_i32_0 = arith.constant 0 : i32
    %c0_i32_1 = arith.constant 0 : i32
    return %c0_i32, %c0_i32_0 : i32, i32
  }
  func.func @transform_7(%arg0: i32) -> (i32, i32) {
    %c0_i32 = arith.constant 0 : i32
    %c0_i32_0 = arith.constant 0 : i32
    %c0_i32_1 = arith.constant 0 : i32
    return %c0_i32, %c0_i32_0 : i32, i32
  }
  func.func @transform_8(%arg0: i32) -> (i32, i32) {
    %c0_i32 = arith.constant 0 : i32
    %c0_i32_0 = arith.constant 0 : i32
    %c0_i32_1 = arith.constant 0 : i32
    return %c0_i32, %c0_i32_0 : i32, i32
  }
  func.func @transform_9(%arg0: i32) -> (i32, i32) {
    %c0_i32 = arith.constant 0 : i32
    %c0_i32_0 = arith.constant 0 : i32
    %c0_i32_1 = arith.constant 0 : i32
    return %c0_i32, %c0_i32_0 : i32, i32
  }
  func.func @transform_10(%arg0: i32) -> (i32, i32) {
    %c0_i32 = arith.constant 0 : i32
    %c0_i32_0 = arith.constant 0 : i32
    %c0_i32_1 = arith.constant 0 : i32
    return %c0_i32, %c0_i32_0 : i32, i32
  }
  func.func @transform_11(%arg0: i32) -> (i32, i32) {
    %c0_i32 = arith.constant 0 : i32
    %c0_i32_0 = arith.constant 0 : i32
    %c0_i32_1 = arith.constant 0 : i32
    return %c0_i32, %c0_i32_0 : i32, i32
  }
  func.func @transform_12(%arg0: i32) -> (i32, i32) {
    %c0_i32 = arith.constant 0 : i32
    %c0_i32_0 = arith.constant 0 : i32
    %c0_i32_1 = arith.constant 0 : i32
    return %c0_i32, %c0_i32_0 : i32, i32
  }
  func.func @transform_13(%arg0: i32) -> (i32, i32) {
    %c0_i32 = arith.constant 0 : i32
    %c0_i32_0 = arith.constant 0 : i32
    %c0_i32_1 = arith.constant 0 : i32
    return %c0_i32, %c0_i32_0 : i32, i32
  }
  func.func @transform_14(%arg0: i32) -> (i32, i32) {
    %c0_i32 = arith.constant 0 : i32
    %c0_i32_0 = arith.constant 0 : i32
    %c0_i32_1 = arith.constant 0 : i32
    return %c0_i32, %c0_i32_0 : i32, i32
  }
  func.func @transform_15(%arg0: i32) -> (i32, i32) {
    %c0_i32 = arith.constant 0 : i32
    %c0_i32_0 = arith.constant 0 : i32
    %c0_i32_1 = arith.constant 0 : i32
    return %c0_i32, %c0_i32_0 : i32, i32
  }
  func.func @transform_16(%arg0: i32) -> (i32, i32) {
    %c0_i32 = arith.constant 0 : i32
    %c0_i32_0 = arith.constant 0 : i32
    return %arg0, %c0_i32 : i32, i32
  }
}

</mosaic_0001>

<sc_bundles>
// kernel: kernel.5.cloned.1.call-start
scs
__scs_entry_jumppad:
0x0: {  	(pc) =	sbr.rel $0x88, $3  }
0x1: {  	(tag) =	ssettag $0x0;
	lr =	simm.s32 $0x1  }
0x2: {  	[smem:$0x3F91] =	sst lr;
	_ =	strace $0xD0000000  }
0x3: {  	_ = 	snop  }
0x4: {  	_ = 	snop  }
0x5: {  	_ = 	snop  }
0x6: {  	_ = 	snop  }
0x7: {  	_ = 	snop  }
__scs_overlays_trampoline_lowered:
0x8: {  	[smem:$0x3FA0] =	sst s0  }
0x9: {  	[smem:$0x3FA1] =	sst s1  }
0xa: {  	[smem:$0x3FA2] =	sst s2  }
0xb: {  	[smem:$0x3FA3] =	sst s3  }
0xc: {  	[smem:$0x3FA4] =	sst s4  }
0xd: {  	[smem:$0x3FA5] =	sst s5  }
0xe: {  	[smem:$0x3FA6] =	sst s6  }
0xf: {  	[smem:$0x3FA7] =	sst s7  }
0x10: {  	[smem:$0x3FA8] =	sst s8  }
0x11: {  	[smem:$0x3FA9] =	sst s9;
	s0 =	simm.s32 @!p0 $0x0  }
0x12: {  	s1 =	sld [smem:$0x3F8F];
	s0 =	simm.s32 @p0 $0x1  }
0x13: {  	[smem:$0x3FAA] =	sst s0;
	s0 =	simm.s32 @!p1 $0x0  }
0x14: {  	s2 =	sld [smem:$0x3F8E];
	s0 =	simm.s32 @p1 $0x1  }
0x15: {  	[smem:$0x3FAB] =	sst s0;
	s0 =	simm.s32 @!p2 $0x0  }
0x16: {  	s3 =	sld [smem:$0x3FDB];
	s0 =	simm.s32 @p2 $0x1  }
0x17: {  	s4 =	simm.s32 $0x1BF5;
	[smem:$0x3FAD] =	sst s0  }
0x18: {  	s0 =	sld [smem:$0x3F90];
	_ =	swait.ge [sflag:s4], $0x0  }
0x19: {  	s7 =	sld [smem:$0x3F91]  }
0x1a: {  	s8 =	sadd.s32 $0xFFFFE003, lr  }
0x1b: {  	s9 =	sadd.s32 $0xFFFFFEF7, lr;
	s5 =	simm.s32 $0xFFFFFFFF;
	p2 =	slt.u32 s8, $0xFFFFF086  }
0x1c: {  	p1 =	slt.u32 s9, $0xF7A;
	s5 =	simm.s32 @!p2 $0x0  }
0x1d: {  	s5 =	simm.s32 @p1 $0x1;
	p0 =	seq.s32 s7, s2  }
0x1e: {  	s7 =	smul.u32 @!p0 $0xF7A, s2;
	p2 =	seq.s32 @!p0 s5, $0x0  }
0x1f: {  	s9 =	smul.u32 $0xF7A, s1;
	s8 =	simm.s32 @!p0 $0x1BF5;
	p2 =	por !p2, p0  }
0x20: {  	[sflag:s8] =	ssyncset.s32 @!p0 $0xFFFFF086;
	s6 =	sadd.s32 @!p0 s3, s7;
	s7 =	simm.s32 @!p0 $0x108  }
0x21: {  	s3 =	sadd.s32 s3, s9;
	s6 =	sadd.s32 @!p0 $0x88, s6;
	s7 =	simm.s32 @p2 $0x1082  }
0x22: {  	[simem:s7], [sflag:s8] =	dma.local @!p0 [hbm:s6], $0xF7A  }
0x23: {  	s9 =	sor.u32 $0xD0000000, s2;
	s6 =	simm.s32 $0x108;
	_ =	swait.ge @!p0 [sflag:s8], $0x0  }
0x24: {  	s3 =	sadd.s32 $0x88, s3;
	s6 =	simm.s32 @!p1 $0x1082;
	[sflag:s4] =	ssyncset.s32 $0xFFFFF086  }
0x25: {  	[simem:s6], [sflag:s4] =	dma.local [hbm:s3], $0xF7A  }
0x26: {  	[smem:$0x3F91] =	sst s1;
	(tag) =	ssettag s2;
	_ =	strace s9  }
0x27: {  	s1 =	sld [smem:$0x3FA1]  }
0x28: {  	s2 =	sld [smem:$0x3FA2]  }
0x29: {  	s4 =	sld [smem:$0x3FA4]  }
0x2a: {  	p0 =	seq.s32 s5, $0x0;
	s5 =	sld [smem:$0x3FA5]  }
0x2b: {  	s6 =	sld [smem:$0x3FA6]  }
0x2c: {  	s7 =	sld [smem:$0x3FA7]  }
0x2d: {  	s3 =	simm.s32 $0x108;
	s8 =	sld [smem:$0x3FA8]  }
0x2e: {  	s3 =	simm.s32 @!p0 $0x1082;
	s9 =	sld [smem:$0x3FA9]  }
0x2f: {  	lr =	sadd.s32 s0, s3;
	s0 =	sld [smem:$0x3FA0]  }
0x30: {  	s3 =	sld [smem:$0x3FA3]  }
0x31: {  	[smem:$0x3FAC] =	sst s10  }
0x32: {  	s10 =	sld [smem:$0x3FAA];
	_ =	sdelay $0x3  }
0x33: {  	p0 =	seq.s32 s10, $0x1;
	s10 =	sld [smem:$0x3FAC];
	_ =	sdelay $0x3  }
0x34: {  	[smem:$0x3FAC] =	sst s10  }
0x35: {  	s10 =	sld [smem:$0x3FAB];
	_ =	sdelay $0x3  }
0x36: {  	p1 =	seq.s32 s10, $0x1;
	s10 =	sld [smem:$0x3FAC];
	_ =	sdelay $0x3  }
0x37: {  	[smem:$0x3FAC] =	sst s10  }
0x38: {  	s10 =	sld [smem:$0x3FAD]  }
0x39: {  	_ = 	snop;
	(pc) =	sbr.ind lr, $3  }
0x3a: {  	_ = 	snop  }
0x3b: {  	_ = 	snop  }
0x3c: {  	p2 =	seq.s32 s10, $0x1;
	s10 =	sld [smem:$0x3FAC]  }
0x3d: {  	_ =	shalt  }
0x3e: {  	_ =	shalt  }
0x3f: {  	_ =	shalt  }
0x40: {  	_ =	shalt  }
0x41: {  	_ =	shalt  }
0x42: {  	_ =	shalt  }
0x43: {  	_ =	shalt  }
0x44: {  	_ =	shalt  }
0x45: {  	_ =	shalt  }
0x46: {  	_ =	shalt  }
0x47: {  	_ =	shalt  }
0x48: {  	_ =	shalt  }
0x49: {  	_ =	shalt  }
0x4a: {  	_ =	shalt  }
0x4b: {  	_ =	shalt  }
0x4c: {  	_ =	shalt  }
0x4d: {  	_ =	shalt  }
0x4e: {  	_ =	shalt  }
0x4f: {  	_ =	shalt  }
0x50: {  	_ =	shalt  }
0x51: {  	_ =	shalt  }
0x52: {  	_ =	shalt  }
0x53: {  	_ =	shalt  }
0x54: {  	_ =	shalt  }
0x55: {  	_ =	shalt  }
0x56: {  	_ =	shalt  }
0x57: {  	_ =	shalt  }
0x58: {  	_ =	shalt  }
0x59: {  	_ =	shalt  }
0x5a: {  	_ =	shalt  }
0x5b: {  	_ =	shalt  }
0x5c: {  	_ =	shalt  }
0x5d: {  	_ =	shalt  }
0x5e: {  	_ =	shalt  }
0x5f: {  	_ =	shalt  }
0x60: {  	_ =	shalt  }
0x61: {  	_ =	shalt  }
0x62: {  	_ =	shalt  }
0x63: {  	_ =	shalt  }
0x64: {  	_ =	shalt  }
0x65: {  	_ =	shalt  }
0x66: {  	_ =	shalt  }
0x67: {  	_ =	shalt  }
0x68: {  	_ =	shalt  }
0x69: {  	_ =	shalt  }
0x6a: {  	_ =	shalt  }
0x6b: {  	_ =	shalt  }
0x6c: {  	_ =	shalt  }
0x6d: {  	_ =	shalt  }
0x6e: {  	_ =	shalt  }
0x6f: {  	_ =	shalt  }
0x70: {  	_ =	shalt  }
0x71: {  	_ =	shalt  }
0x72: {  	_ =	shalt  }
0x73: {  	_ =	shalt  }
0x74: {  	_ =	shalt  }
0x75: {  	_ =	shalt  }
0x76: {  	_ =	shalt  }
0x77: {  	_ =	shalt  }
0x78: {  	_ =	shalt  }
0x79: {  	_ =	shalt  }
0x7a: {  	_ =	shalt  }
0x7b: {  	_ =	shalt  }
0x7c: {  	_ =	shalt  }
0x7d: {  	_ =	shalt  }
0x7e: {  	_ =	shalt  }
0x7f: {  	_ =	shalt  }
0x80: {  	_ =	shalt  }
0x81: {  	_ =	shalt  }
0x82: {  	_ =	shalt  }
0x83: {  	_ =	shalt  }
0x84: {  	_ =	shalt  }
0x85: {  	_ =	shalt  }
0x86: {  	_ =	shalt  }
0x87: {  	_ =	shalt  }
.Lfunc_end0:
.L_simem_size_0:
called_computation_lowered:
.L_overlay_start_0:
0x88: {  	s2 =	sld [smem:$0x3FD9]  }
0x89: {  	s3 =	sld [smem:$0x3FFE];
	_ =	sdelay $0x1  }
0x8a: {  	s1 =	srdreg.scid  }
0x8b: {  	s0 =	sand.u32 $0x1, s1  }
0x8c: {  	s16 =	sshll.u32 s0, $0xA;
	s2 =	sadd.s32 s3, s2  }
0x8d: {  	s2 =	sadd.s32 s2, s16  }
0x8e: {  	[smem:$0x3FB8] =	sst s2  }
0x8f: {  	_ = 	snop  }
0x90: {  	(tm) =	ssettm $0x1  }
0x91: {  	s17 =	sld [smem:$0x3FFB];
	_ =	sdelay $0x3  }
0x92: {  	_ =	strace s17  }
0x93: {  	s2 =	sld [smem:$0x3FFC];
	_ =	sdelay $0x3  }
0x94: {  	_ =	strace s2  }
0x95: {  	s2 =	sld [smem:$0x3FFD];
	_ =	sdelay $0x3  }
0x96: {  	_ =	strace s2  }
0x97: {  	_ =	strace $0x8FFFFFFF  }
0x98: {  	s18 =	sld [smem:$0x3FDB];
	_ =	sdelay $0x1  }
0x99: {  	s19 =	simm.s32 $_scs_section_size  }
0x9a: {  	s4 =	simm.s32 $_size__tile_overlayer_lowered;
	s5 =	simm.s32 $_tile_overlayer_lowered  }
0x9b: {  	s22 =	simm.s32 $0x1BFF;
	s21 =	sshll.u32 s5, $0x1;
	s2 =	sadd.s32 s19, s18  }
0x9c: {  	s6 =	simm.s32 $0x0;
	s20 =	sshll.u32 s4, $0x1;
	s4 =	sadd.s32 s21, s2  }
0x9d: {  	[timem:s6], [sflag:s22] =	dma.local [hbm:s4], s20  }
0x9e: {  	_ =	swait.ge [sflag:s22], s20  }
0x9f: {  	s3 =	ssub.s32 $0x0, s20;
	[sflag:s22] =	ssyncset.done $0x0  }
0xa0: {  	[sflag:s22] =	ssyncadd.s32 s3;
	_ =	sdelay $0x1  }
0xa1: {  	s23 =	simm.s32 $0x1B8B  }
0xa2: {  	_ =	swait.ge [sflag:s23], $0x1  }
0xa3: {  	[sflag:s23] =	ssyncset.done $0x0  }
0xa4: {  	s25 =	simm.s32 $0x1B8E;
	s24 =	sld [smem:$0x3FFE];
	[sflag:s23] =	ssyncadd.s32 $0xFFFFFFFF  }
0xa5: {  	s26 =	simm.s32 $execute0_lowered;
	[smem:$0x3FD2] =	sst s25  }
0xa6: {  	s4 =	sshll.u32 s26, $0x1;
	_ =	strace $0x80000046;
	[dreg:$0x1] =	wrdreg $0xFFFFFFFF  }
0xa7: {  	s28 =	simm.s32 $_size_execute0_lowered;
	s2 =	sadd.s32 s2, s4;
	[dreg:$0x0] =	wrdreg $0x0  }
0xa8: {  	s4 =	sshll.u32 s28, $0x1;
	[dreg:$0x2] =	wrdreg s2  }
0xa9: {  	[dreg:$0x3] =	wrdreg s4  }
0xaa: {  	[dreg:$0x4] =	wrdreg $0xC0  }
0xab: {  	_ =	task [dreg:s6], $0x5FFFF  }
0xac: {  	[dreg:$0x1] =	wrdreg $0xFFFFFFFF  }
0xad: {  	[dreg:$0x0] =	wrdreg $0x60  }
0xae: {  	[dreg:$0x2] =	wrdreg s24  }
0xaf: {  	[dreg:$0x3] =	wrdreg $0x9  }
0xb0: {  	_ =	task.clear_ibuf [dreg:s6], $0x4FFFF;
	_ =	strace $0x90000046  }
0xb1: {  	s29 =	simm.s32 $0x9;
	_ =	strace $0x80000048  }
0xb2: {  	_ =	swait.ge [sflag:s29], $0x1  }
0xb3: {  	[sflag:s29] =	ssyncadd.s32 $0xFFFFFFFF  }
0xb4: {  	_ =	strace $0x90000048  }
0xb5: {  	_ =	sfence  }
0xb6: {  	s30 =	sld [smem:$0x0];
	_ =	sdelay $0x2  }
0xb7: {  	s31 =	sshll.u32 s1, $0xD;
	s1 =	sshrl.u32 s1, $0x2  }
0xb8: {  	s3 =	sand.u32 $0x4000, s31;
	s1 =	sadd.s32 s1, s30  }
0xb9: {  	s0 =	sor.u32 s3, s0;
	s1 =	sshll.u32 s1, $0x11  }
0xba: {  	s0 =	sor.u32 s1, s0  }
0xbb: {  	s0 =	sadd.s32 $0x8F2B, s0  }
0xbc: {  	[sflag:s0] =	ssyncadd.remote.s32 $0x1  }
0xbd: {  	_ =	sfence.sel $0xFFFF  }
0xbe: {  	[dreg:$0x0] =	wrdreg $0xFFFFFFFF;
	(pc) =	sbr.abs _section_cstart, $3  }
0xbf: {  	[dreg:$0x1] =	wrdreg $0xFFFFFFFF  }
0xc0: {  	_ =	task.clear_ibuf [dreg:s6], $0x2FFFF;
	_ =	strace $0x9FFFFFFF  }
0xc1: {  	(tm) =	ssettm $0x7FFFFFFF  }
tec
execute0_lowered:
.L_overlay_start_1:
0x0: {  	(tag) =	ssettag $0x1  }
0x1: {  	s1 =	srdreg.scid;
	s0 =	stileid.u32  }
0x2: {  	s22 =	sand.u32 $0x1, s1;
	s26 =	sshll.u32 s0, $0x1  }
0x3: {  	s8 =	sor.u32 s22, s26  }
0x4: {  	s9 =	rddreg [dreg:$0x0];
	s23 =	smul.u32 $0x3400, s8  }
0x5: {  	s2 =	simm.s32 $0x0;
	s1 =	rddreg [dreg:$0x1]  }
0x6: {  	[smem:$0x7FF] =	sst s2;
	s21 =	sadd.s32 $0x52A000, s9;
	s3 =	sshrl.u32 s23, $0x3  }
0x7: {  	_ =	strace $0x80000047;
	s4 =	sadd.s32 s21, s3;
	s3 =	simm.s32 $0x2  }
0x8: {  	[tilespmem:s2], [sflag:$0x2] =	stream.linear.gather [hbm4b:s4+s2], $0x680, $0x38;
	[tilespmem:$0x6E80] =	vst v63  }
0x9: {  	_ =	swait.ge [sflag:s3], $0x680  }
0xa: {  	s6 =	simm.s32 $0x680;
	[sflag:s3] =	ssyncset.done $0x0  }
0xb: {  	s7 =	simm.s32 $0x1;
	s5 =	sadd.s32 $0x2000, s9;
	[sflag:s3] =	ssyncadd.s32 $0xFFFFF980  }
0xc: {  	[tilespmem:s6], [sflag:$0x1] =	stream.indirect.gather [hbm4b:s5+s6], $0x10, s2, s6, $0xb8;
	[tilespmem:$0x6E80] =	vst v63  }
0xd: {  	s8 =	smul.u32 $0x6800, s8;
	_ =	swait.ge [sflag:s7], $0x6800  }
0xe: {  	s24 =	sadd.s32 $0x537000, s9;
	[sflag:s7] =	ssyncset.done $0x0  }
0xf: {  	s8 =	sadd.s32 s24, s8;
	[sflag:s7] =	ssyncadd.s32 $0xFFFF9800  }
0x10: {  	[hbm4b:s8+s2] =	stream.linear.scatter [tilespmem:s6], [sflag:$0x2], $0x6800, $0x38;
	[tilespmem:$0x6E80] =	vst v63  }
0x11: {  	s10 =	sadd.s32 $0x680, s23;
	_ =	swait.ge [sflag:s3], $0x6800  }
0x12: {  	s28 =	sshrl.u32 s10, $0x3;
	[sflag:s3] =	ssyncset.done $0x0  }
0x13: {  	s9 =	sadd.s32 s21, s28;
	[sflag:s3] =	ssyncadd.s32 $0xFFFF9800  }
0x14: {  	[tilespmem:s2], [sflag:$0x2] =	stream.linear.gather [hbm4b:s9+s2], $0x680, $0x38;
	[tilespmem:$0x6E80] =	vst v63  }
0x15: {  	_ =	swait.ge [sflag:s3], $0x680  }
0x16: {  	[sflag:s3] =	ssyncset.done $0x0  }
0x17: {  	[sflag:s3] =	ssyncadd.s32 $0xFFFFF980  }
0x18: {  	[tilespmem:s6], [sflag:$0x1] =	stream.indirect.gather [hbm4b:s5+s6], $0x10, s2, s6, $0xb8;
	[tilespmem:$0x6E80] =	vst v63  }
0x19: {  	_ =	swait.ge [sflag:s7], $0x6800  }
0x1a: {  	s10 =	sshll.u32 s10, $0x1;
	[sflag:s7] =	ssyncset.done $0x0  }
0x1b: {  	s10 =	sadd.s32 s24, s10;
	[sflag:s7] =	ssyncadd.s32 $0xFFFF9800  }
0x1c: {  	[hbm4b:s10+s2] =	stream.linear.scatter [tilespmem:s6], [sflag:$0x2], $0x6800, $0x38;
	[tilespmem:$0x6E80] =	vst v63  }
0x1d: {  	s12 =	sadd.s32 $0xD00, s23;
	_ =	swait.ge [sflag:s3], $0x6800  }
0x1e: {  	s11 =	sshrl.u32 s12, $0x3;
	[sflag:s3] =	ssyncset.done $0x0  }
0x1f: {  	s11 =	sadd.s32 s21, s11;
	[sflag:s3] =	ssyncadd.s32 $0xFFFF9800  }
0x20: {  	[tilespmem:s2], [sflag:$0x2] =	stream.linear.gather [hbm4b:s11+s2], $0x680, $0x38;
	[tilespmem:$0x6E80] =	vst v63  }
0x21: {  	_ =	swait.ge [sflag:s3], $0x680  }
0x22: {  	[sflag:s3] =	ssyncset.done $0x0  }
0x23: {  	[sflag:s3] =	ssyncadd.s32 $0xFFFFF980  }
0x24: {  	[tilespmem:s6], [sflag:$0x1] =	stream.indirect.gather [hbm4b:s5+s6], $0x10, s2, s6, $0xb8;
	[tilespmem:$0x6E80] =	vst v63  }
0x25: {  	_ =	swait.ge [sflag:s7], $0x6800  }
0x26: {  	s12 =	sshll.u32 s12, $0x1;
	[sflag:s7] =	ssyncset.done $0x0  }
0x27: {  	s12 =	sadd.s32 s24, s12;
	[sflag:s7] =	ssyncadd.s32 $0xFFFF9800  }
0x28: {  	[hbm4b:s12+s2] =	stream.linear.scatter [tilespmem:s6], [sflag:$0x2], $0x6800, $0x38;
	[tilespmem:$0x6E80] =	vst v63  }
0x29: {  	s14 =	sadd.s32 $0x1380, s23;
	_ =	swait.ge [sflag:s3], $0x6800  }
0x2a: {  	s13 =	sshrl.u32 s14, $0x3;
	[sflag:s3] =	ssyncset.done $0x0  }
0x2b: {  	s13 =	sadd.s32 s21, s13;
	[sflag:s3] =	ssyncadd.s32 $0xFFFF9800  }
0x2c: {  	[tilespmem:s2], [sflag:$0x2] =	stream.linear.gather [hbm4b:s13+s2], $0x680, $0x38;
	[tilespmem:$0x6E80] =	vst v63  }
0x2d: {  	_ =	swait.ge [sflag:s3], $0x680  }
0x2e: {  	[sflag:s3] =	ssyncset.done $0x0  }
0x2f: {  	[sflag:s3] =	ssyncadd.s32 $0xFFFFF980  }
0x30: {  	[tilespmem:s6], [sflag:$0x1] =	stream.indirect.gather [hbm4b:s5+s6], $0x10, s2, s6, $0xb8;
	[tilespmem:$0x6E80] =	vst v63  }
0x31: {  	_ =	swait.ge [sflag:s7], $0x6800  }
0x32: {  	s14 =	sshll.u32 s14, $0x1;
	[sflag:s7] =	ssyncset.done $0x0  }
0x33: {  	s14 =	sadd.s32 s24, s14;
	[sflag:s7] =	ssyncadd.s32 $0xFFFF9800  }
0x34: {  	[hbm4b:s14+s2] =	stream.linear.scatter [tilespmem:s6], [sflag:$0x2], $0x6800, $0x38;
	[tilespmem:$0x6E80] =	vst v63  }
0x35: {  	s16 =	sadd.s32 $0x1A00, s23;
	_ =	swait.ge [sflag:s3], $0x6800  }
0x36: {  	s15 =	sshrl.u32 s16, $0x3;
	[sflag:s3] =	ssyncset.done $0x0  }
0x37: {  	s15 =	sadd.s32 s21, s15;
	[sflag:s3] =	ssyncadd.s32 $0xFFFF9800  }
0x38: {  	[tilespmem:s2], [sflag:$0x2] =	stream.linear.gather [hbm4b:s15+s2], $0x680, $0x38;
	[tilespmem:$0x6E80] =	vst v63  }
0x39: {  	_ =	swait.ge [sflag:s3], $0x680  }
0x3a: {  	[sflag:s3] =	ssyncset.done $0x0  }
0x3b: {  	[sflag:s3] =	ssyncadd.s32 $0xFFFFF980  }
0x3c: {  	[tilespmem:s6], [sflag:$0x1] =	stream.indirect.gather [hbm4b:s5+s6], $0x10, s2, s6, $0xb8;
	[tilespmem:$0x6E80] =	vst v63  }
0x3d: {  	_ =	swait.ge [sflag:s7], $0x6800  }
0x3e: {  	s16 =	sshll.u32 s16, $0x1;
	[sflag:s7] =	ssyncset.done $0x0  }
0x3f: {  	s16 =	sadd.s32 s24, s16;
	[sflag:s7] =	ssyncadd.s32 $0xFFFF9800  }
0x40: {  	[hbm4b:s16+s2] =	stream.linear.scatter [tilespmem:s6], [sflag:$0x2], $0x6800, $0x38;
	[tilespmem:$0x6E80] =	vst v63  }
0x41: {  	s18 =	sadd.s32 $0x2080, s23;
	_ =	swait.ge [sflag:s3], $0x6800  }
0x42: {  	s17 =	sshrl.u32 s18, $0x3;
	[sflag:s3] =	ssyncset.done $0x0  }
0x43: {  	s17 =	sadd.s32 s21, s17;
	[sflag:s3] =	ssyncadd.s32 $0xFFFF9800  }
0x44: {  	[tilespmem:s2], [sflag:$0x2] =	stream.linear.gather [hbm4b:s17+s2], $0x680, $0x38;
	[tilespmem:$0x6E80] =	vst v63  }
0x45: {  	_ =	swait.ge [sflag:s3], $0x680  }
0x46: {  	[sflag:s3] =	ssyncset.done $0x0  }
0x47: {  	[sflag:s3] =	ssyncadd.s32 $0xFFFFF980  }
0x48: {  	[tilespmem:s6], [sflag:$0x1] =	stream.indirect.gather [hbm4b:s5+s6], $0x10, s2, s6, $0xb8;
	[tilespmem:$0x6E80] =	vst v63  }
0x49: {  	_ =	swait.ge [sflag:s7], $0x6800  }
0x4a: {  	s18 =	sshll.u32 s18, $0x1;
	[sflag:s7] =	ssyncset.done $0x0  }
0x4b: {  	s18 =	sadd.s32 s24, s18;
	[sflag:s7] =	ssyncadd.s32 $0xFFFF9800  }
0x4c: {  	[hbm4b:s18+s2] =	stream.linear.scatter [tilespmem:s6], [sflag:$0x2], $0x6800, $0x38;
	[tilespmem:$0x6E80] =	vst v63  }
0x4d: {  	s20 =	sadd.s32 $0x2700, s23;
	_ =	swait.ge [sflag:s3], $0x6800  }
0x4e: {  	s19 =	sshrl.u32 s20, $0x3;
	[sflag:s3] =	ssyncset.done $0x0  }
0x4f: {  	s19 =	sadd.s32 s21, s19;
	[sflag:s3] =	ssyncadd.s32 $0xFFFF9800  }
0x50: {  	[tilespmem:s2], [sflag:$0x2] =	stream.linear.gather [hbm4b:s19+s2], $0x680, $0x38;
	[tilespmem:$0x6E80] =	vst v63  }
0x51: {  	_ =	swait.ge [sflag:s3], $0x680  }
0x52: {  	[sflag:s3] =	ssyncset.done $0x0  }
0x53: {  	[sflag:s3] =	ssyncadd.s32 $0xFFFFF980  }
0x54: {  	[tilespmem:s6], [sflag:$0x1] =	stream.indirect.gather [hbm4b:s5+s6], $0x10, s2, s6, $0xb8;
	[tilespmem:$0x6E80] =	vst v63  }
0x55: {  	_ =	swait.ge [sflag:s7], $0x6800  }
0x56: {  	s20 =	sshll.u32 s20, $0x1;
	[sflag:s7] =	ssyncset.done $0x0  }
0x57: {  	s20 =	sadd.s32 s24, s20;
	[sflag:s7] =	ssyncadd.s32 $0xFFFF9800  }
0x58: {  	[hbm4b:s20+s2] =	stream.linear.scatter [tilespmem:s6], [sflag:$0x2], $0x6800, $0x38;
	[tilespmem:$0x6E80] =	vst v63  }
0x59: {  	s23 =	sadd.s32 $0x2D80, s23;
	_ =	swait.ge [sflag:s3], $0x6800  }
0x5a: {  	s25 =	sshrl.u32 s23, $0x3;
	[sflag:s3] =	ssyncset.done $0x0  }
0x5b: {  	s22 =	ssub.s32 $0x2, s22;
	s21 =	sadd.s32 s21, s25;
	[sflag:s3] =	ssyncadd.s32 $0xFFFF9800  }
0x5c: {  	[tilespmem:s2], [sflag:$0x2] =	stream.linear.gather [hbm4b:s21+s2], $0x680, $0x38;
	[tilespmem:$0x6E80] =	vst v63  }
0x5d: {  	s29 =	sshrl.u32 s22, $0x1;
	_ =	swait.ge [sflag:s3], $0x680  }
0x5e: {  	s25 =	ssub.s32 s22, s29;
	[sflag:s3] =	ssyncset.done $0x0  }
0x5f: {  	s31 =	smax.u32 s25, $0x1;
	[sflag:s3] =	ssyncadd.s32 $0xFFFFF980  }
0x60: {  	[tilespmem:s6], [sflag:$0x1] =	stream.indirect.gather [hbm4b:s5+s6], $0x10, s2, s6, $0xb8;
	[tilespmem:$0x6E80] =	vst v63  }
0x61: {  	p0 =	sne.s32 s31, $0x1;
	_ =	swait.ge [sflag:s7], $0x6800  }
.Ltmp0:
0x62: {  	s30 =	sshll.u32 s23, $0x1;
	[sflag:s7] =	ssyncset.done $0x0;
	(pc) =	sbr.rel @!p0 .LBB2_2-.Ltmp0, $4  }
0x63: {  	s22 =	sadd.s32 s24, s30;
	[sflag:s7] =	ssyncadd.s32 $0xFFFF9800  }
0x64: {  	[hbm4b:s22+s2] =	stream.linear.scatter [tilespmem:s6], [sflag:$0x2], $0x6800, $0x38;
	[tilespmem:$0x6E80] =	vst v63  }
0x65: {  	_ =	swait.ge [sflag:s3], $0x6800  }
0x66: {  	s23 =	sadd.s32 $0xFFFFFFFF, s31;
	[sflag:s3] =	ssyncset.done $0x0  }
.LBB2_1:
0x67: {  	p0 =	sne.s32 s23, $0x1;
	s23 =	sadd.s32 $0xFFFFFFFF, s23;
	[sflag:s3] =	ssyncadd.s32 $0xFFFF9800  }
0x68: {  	[tilespmem:s2], [sflag:$0x2] =	stream.linear.gather [hbm4b:s4+s2], $0x680, $0x38;
	[tilespmem:$0x6E80] =	vst v63  }
0x69: {  	_ =	swait.ge [sflag:s3], $0x680  }
0x6a: {  	[sflag:s3] =	ssyncset.done $0x0  }
0x6b: {  	[sflag:s3] =	ssyncadd.s32 $0xFFFFF980  }
0x6c: {  	[tilespmem:s6], [sflag:$0x1] =	stream.indirect.gather [hbm4b:s5+s6], $0x10, s2, s6, $0xb8;
	[tilespmem:$0x6E80] =	vst v63  }
0x6d: {  	_ =	swait.ge [sflag:s7], $0x6800  }
0x6e: {  	[sflag:s7] =	ssyncset.done $0x0  }
0x6f: {  	[sflag:s7] =	ssyncadd.s32 $0xFFFF9800  }
0x70: {  	[hbm4b:s8+s2] =	stream.linear.scatter [tilespmem:s6], [sflag:$0x2], $0x6800, $0x38;
	[tilespmem:$0x6E80] =	vst v63  }
0x71: {  	_ =	swait.ge [sflag:s3], $0x6800  }
0x72: {  	[sflag:s3] =	ssyncset.done $0x0  }
0x73: {  	[sflag:s3] =	ssyncadd.s32 $0xFFFF9800  }
0x74: {  	[tilespmem:s2], [sflag:$0x2] =	stream.linear.gather [hbm4b:s9+s2], $0x680, $0x38;
	[tilespmem:$0x6E80] =	vst v63  }
0x75: {  	_ =	swait.ge [sflag:s3], $0x680  }
0x76: {  	[sflag:s3] =	ssyncset.done $0x0  }
0x77: {  	[sflag:s3] =	ssyncadd.s32 $0xFFFFF980  }
0x78: {  	[tilespmem:s6], [sflag:$0x1] =	stream.indirect.gather [hbm4b:s5+s6], $0x10, s2, s6, $0xb8;
	[tilespmem:$0x6E80] =	vst v63  }
0x79: {  	_ =	swait.ge [sflag:s7], $0x6800  }
0x7a: {  	[sflag:s7] =	ssyncset.done $0x0  }
0x7b: {  	[sflag:s7] =	ssyncadd.s32 $0xFFFF9800  }
0x7c: {  	[hbm4b:s10+s2] =	stream.linear.scatter [tilespmem:s6], [sflag:$0x2], $0x6800, $0x38;
	[tilespmem:$0x6E80] =	vst v63  }
0x7d: {  	_ =	swait.ge [sflag:s3], $0x6800  }
0x7e: {  	[sflag:s3] =	ssyncset.done $0x0  }
0x7f: {  	[sflag:s3] =	ssyncadd.s32 $0xFFFF9800  }
0x80: {  	[tilespmem:s2], [sflag:$0x2] =	stream.linear.gather [hbm4b:s11+s2], $0x680, $0x38;
	[tilespmem:$0x6E80] =	vst v63  }
0x81: {  	_ =	swait.ge [sflag:s3], $0x680  }
0x82: {  	[sflag:s3] =	ssyncset.done $0x0  }
0x83: {  	[sflag:s3] =	ssyncadd.s32 $0xFFFFF980  }
0x84: {  	[tilespmem:s6], [sflag:$0x1] =	stream.indirect.gather [hbm4b:s5+s6], $0x10, s2, s6, $0xb8;
	[tilespmem:$0x6E80] =	vst v63  }
0x85: {  	_ =	swait.ge [sflag:s7], $0x6800  }
0x86: {  	[sflag:s7] =	ssyncset.done $0x0  }
0x87: {  	[sflag:s7] =	ssyncadd.s32 $0xFFFF9800  }
0x88: {  	[hbm4b:s12+s2] =	stream.linear.scatter [tilespmem:s6], [sflag:$0x2], $0x6800, $0x38;
	[tilespmem:$0x6E80] =	vst v63  }
0x89: {  	_ =	swait.ge [sflag:s3], $0x6800  }
0x8a: {  	[sflag:s3] =	ssyncset.done $0x0  }
0x8b: {  	[sflag:s3] =	ssyncadd.s32 $0xFFFF9800  }
0x8c: {  	[tilespmem:s2], [sflag:$0x2] =	stream.linear.gather [hbm4b:s13+s2], $0x680, $0x38;
	[tilespmem:$0x6E80] =	vst v63  }
0x8d: {  	_ =	swait.ge [sflag:s3], $0x680  }
0x8e: {  	[sflag:s3] =	ssyncset.done $0x0  }
0x8f: {  	[sflag:s3] =	ssyncadd.s32 $0xFFFFF980  }
0x90: {  	[tilespmem:s6], [sflag:$0x1] =	stream.indirect.gather [hbm4b:s5+s6], $0x10, s2, s6, $0xb8;
	[tilespmem:$0x6E80] =	vst v63  }
0x91: {  	_ =	swait.ge [sflag:s7], $0x6800  }
0x92: {  	[sflag:s7] =	ssyncset.done $0x0  }
0x93: {  	[sflag:s7] =	ssyncadd.s32 $0xFFFF9800  }
0x94: {  	[hbm4b:s14+s2] =	stream.linear.scatter [tilespmem:s6], [sflag:$0x2], $0x6800, $0x38;
	[tilespmem:$0x6E80] =	vst v63  }
0x95: {  	_ =	swait.ge [sflag:s3], $0x6800  }
0x96: {  	[sflag:s3] =	ssyncset.done $0x0  }
0x97: {  	[sflag:s3] =	ssyncadd.s32 $0xFFFF9800  }
0x98: {  	[tilespmem:s2], [sflag:$0x2] =	stream.linear.gather [hbm4b:s15+s2], $0x680, $0x38;
	[tilespmem:$0x6E80] =	vst v63  }
0x99: {  	_ =	swait.ge [sflag:s3], $0x680  }
0x9a: {  	[sflag:s3] =	ssyncset.done $0x0  }
0x9b: {  	[sflag:s3] =	ssyncadd.s32 $0xFFFFF980  }
0x9c: {  	[tilespmem:s6], [sflag:$0x1] =	stream.indirect.gather [hbm4b:s5+s6], $0x10, s2, s6, $0xb8;
	[tilespmem:$0x6E80] =	vst v63  }
0x9d: {  	_ =	swait.ge [sflag:s7], $0x6800  }
0x9e: {  	[sflag:s7] =	ssyncset.done $0x0  }
0x9f: {  	[sflag:s7] =	ssyncadd.s32 $0xFFFF9800  }
0xa0: {  	[hbm4b:s16+s2] =	stream.linear.scatter [tilespmem:s6], [sflag:$0x2], $0x6800, $0x38;
	[tilespmem:$0x6E80] =	vst v63  }
0xa1: {  	_ =	swait.ge [sflag:s3], $0x6800  }
0xa2: {  	[sflag:s3] =	ssyncset.done $0x0  }
0xa3: {  	[sflag:s3] =	ssyncadd.s32 $0xFFFF9800  }
0xa4: {  	[tilespmem:s2], [sflag:$0x2] =	stream.linear.gather [hbm4b:s17+s2], $0x680, $0x38;
	[tilespmem:$0x6E80] =	vst v63  }
0xa5: {  	_ =	swait.ge [sflag:s3], $0x680  }
0xa6: {  	[sflag:s3] =	ssyncset.done $0x0  }
0xa7: {  	[sflag:s3] =	ssyncadd.s32 $0xFFFFF980  }
0xa8: {  	[tilespmem:s6], [sflag:$0x1] =	stream.indirect.gather [hbm4b:s5+s6], $0x10, s2, s6, $0xb8;
	[tilespmem:$0x6E80] =	vst v63  }
0xa9: {  	_ =	swait.ge [sflag:s7], $0x6800  }
0xaa: {  	[sflag:s7] =	ssyncset.done $0x0  }
0xab: {  	[sflag:s7] =	ssyncadd.s32 $0xFFFF9800  }
0xac: {  	[hbm4b:s18+s2] =	stream.linear.scatter [tilespmem:s6], [sflag:$0x2], $0x6800, $0x38;
	[tilespmem:$0x6E80] =	vst v63  }
0xad: {  	_ =	swait.ge [sflag:s3], $0x6800  }
0xae: {  	[sflag:s3] =	ssyncset.done $0x0  }
0xaf: {  	[sflag:s3] =	ssyncadd.s32 $0xFFFF9800  }
0xb0: {  	[tilespmem:s2], [sflag:$0x2] =	stream.linear.gather [hbm4b:s19+s2], $0x680, $0x38;
	[tilespmem:$0x6E80] =	vst v63  }
0xb1: {  	_ =	swait.ge [sflag:s3], $0x680  }
0xb2: {  	[sflag:s3] =	ssyncset.done $0x0  }
0xb3: {  	[sflag:s3] =	ssyncadd.s32 $0xFFFFF980  }
0xb4: {  	[tilespmem:s6], [sflag:$0x1] =	stream.indirect.gather [hbm4b:s5+s6], $0x10, s2, s6, $0xb8;
	[tilespmem:$0x6E80] =	vst v63  }
0xb5: {  	_ =	swait.ge [sflag:s7], $0x6800  }
0xb6: {  	[sflag:s7] =	ssyncset.done $0x0  }
0xb7: {  	[sflag:s7] =	ssyncadd.s32 $0xFFFF9800  }
0xb8: {  	[hbm4b:s20+s2] =	stream.linear.scatter [tilespmem:s6], [sflag:$0x2], $0x6800, $0x38;
	[tilespmem:$0x6E80] =	vst v63  }
0xb9: {  	_ =	swait.ge [sflag:s3], $0x6800  }
0xba: {  	[sflag:s3] =	ssyncset.done $0x0  }
0xbb: {  	[sflag:s3] =	ssyncadd.s32 $0xFFFF9800  }
0xbc: {  	[tilespmem:s2], [sflag:$0x2] =	stream.linear.gather [hbm4b:s21+s2], $0x680, $0x38;
	[tilespmem:$0x6E80] =	vst v63  }
0xbd: {  	_ =	swait.ge [sflag:s3], $0x680  }
0xbe: {  	[sflag:s3] =	ssyncset.done $0x0  }
0xbf: {  	[sflag:s3] =	ssyncadd.s32 $0xFFFFF980  }
0xc0: {  	[tilespmem:s6], [sflag:$0x1] =	stream.indirect.gather [hbm4b:s5+s6], $0x10, s2, s6, $0xb8;
	[tilespmem:$0x6E80] =	vst v63  }
0xc1: {  	_ =	swait.ge [sflag:s7], $0x6800  }
.Ltmp1:
0xc2: {  	[sflag:s7] =	ssyncset.done $0x0;
	(pc) =	sbr.rel @p0 .LBB2_1-.Ltmp1, $4  }
0xc3: {  	[sflag:s7] =	ssyncadd.s32 $0xFFFF9800  }
0xc4: {  	[hbm4b:s22+s2] =	stream.linear.scatter [tilespmem:s6], [sflag:$0x2], $0x6800, $0x38;
	[tilespmem:$0x6E80] =	vst v63  }
0xc5: {  	_ =	swait.ge [sflag:s3], $0x6800  }
0xc6: {  	[sflag:s3] =	ssyncset.done $0x0  }
.LBB2_2:
0xc7: {  	[sflag:s3] =	ssyncadd.s32 $0xFFFF9800  }
0xc8: {  	_ =	sfence.sel $0x180000  }
0xc9: {  	[bflag:$0x0] =	sbarrier.arrive $0xFFFF  }
0xca: {  	p0 =	sne.s32 s0, $0x0;
	_ =	strace $0x90000047  }
0xcb: {  	s0 =	sadd.s32 @!p0 $0x100000, s1;
	[bflag:$0x2] =	sbarrier.arrive $0xFFFF  }
0xcc: {  	[sflag:s0] =	ssyncadd.tile.s32 @!p0 $0x1;
	_ =	shalt  }
.Lfunc_end2:
_tile_overlayer_lowered:
.L_overlay_start_2:
0xcd: {  	(tag) =	ssettag $0x2  }
0xce: {  	s0 =	rddreg [dreg:$0x0];
	s2 =	stileid.u32  }
0xcf: {  	s1 =	rddreg [dreg:$0x1];
	p0 =	sne.s32 s2, $0x0  }
0xd0: {  	s3 =	rddreg [dreg:$0x2];
	[bflag:$0x3] =	sbarrier.arrive $0xFFFF;
	s2 =	simm.s32 @!p0 $0x1C02  }
0xd1: {  	[timem:s3], [sflag:s2] =	dma.local @!p0 [hbm:s0], s1  }
0xd2: {  	s0 =	simm.s32 @!p0 $0x2  }
0xd3: {  	_ =	swait.ge @!p0 [sflag:s0], s1  }
0xd4: {  	s1 =	ssub.s32 @!p0 $0x0, s1;
	[sflag:s0] =	ssyncset.done @!p0 $0x0  }
0xd5: {  	[sflag:s0] =	ssyncadd.s32 @!p0 s1  }
0xd6: {  	[bflag:$0x3] =	sbarrier.arrive $0xFFFF  }
0xd7: {  	_ =	shalt  }

</sc_bundles>
